<compile_context>
chip_gen: v7x
topology: tpu7x:2x2x1
jax: 0.10.2.dev20260603
libtpu: 0.0.44.dev20260713+nightly
codegen_flags: <defaults>
</compile_context>

<pallas_src>
import functools

import jax
import jax.numpy as jnp
from jax import lax
from jax.experimental import pallas as pl
from jax.experimental.pallas import tpu as pltpu
from jax.experimental.pallas import tpu_sc as plsc
from jax.experimental import layout as jex_layout

NUM_CORES = 2
NUM_SUBCORES = 16
NUM_WORKERS = NUM_CORES * NUM_SUBCORES
CHUNK = 128
DIM = 64
NBUF = 8


def _make_kernel(n_chunks: int):
    mesh = plsc.VectorSubcoreMesh(core_axis_name="c", subcore_axis_name="s")
    n_blocks = NUM_WORKERS * n_chunks

    @functools.partial(
        pl.kernel,
        out_type=jax.ShapeDtypeStruct((n_blocks, CHUNK, DIM), jnp.float32),
        mesh=mesh,
        scratch_types=[
            pltpu.VMEM((n_chunks, CHUNK), jnp.int32),
            pltpu.VMEM((NBUF, CHUNK, DIM), jnp.float32),
            pltpu.SemaphoreType.DMA,
            pltpu.SemaphoreType.DMA,
        ],
        compiler_params=pltpu.CompilerParams(use_tc_tiling_on_sc=False),
    )
    def k(x_hbm, w_hbm, out_hbm, idx_v, bufs, gsem, wsem):
        wid = lax.axis_index("s") * NUM_CORES + lax.axis_index("c")
        base = wid * n_chunks
        pltpu.sync_copy(x_hbm.at[pl.ds(base, n_chunks)], idx_v)

        for t in range(NBUF - 1):
            pltpu.async_copy(w_hbm.at[idx_v.at[t]], bufs.at[t], gsem)

        @pl.loop(0, n_chunks)
        def _(j):
            s = j % NBUF
            pltpu.make_async_copy(w_hbm.at[pl.ds(0, CHUNK)], bufs.at[s],
                                  gsem).wait()
            pltpu.async_copy(bufs.at[s], out_hbm.at[base + j], wsem)
            nj = j + NBUF - 1

            @pl.when(nj < n_chunks)
            def _():
                @pl.when(j >= 1)
                def _():
                    pltpu.make_async_copy(bufs.at[0], out_hbm.at[0],
                                          wsem).wait()

                pltpu.async_copy(w_hbm.at[idx_v.at[nj]], bufs.at[nj % NBUF],
                                 gsem)

        for _ in range(NBUF):
            pltpu.make_async_copy(bufs.at[0], out_hbm.at[0], wsem).wait()

    return k


def kernel(x, weight):
    rows, cols = x.shape
    b = rows * cols
    n_chunks = b // (NUM_WORKERS * CHUNK)
    x2 = x.T.reshape(b // CHUNK, CHUNK).astype(jnp.int32)
    x2 = jex_layout.with_layout_constraint(
        x2,
        jex_layout.Layout(major_to_minor=(0, 1), tiling=((8, 128),)))
    out = _make_kernel(n_chunks)(x2, weight)
    return out.reshape(cols, rows, DIM).transpose(1, 0, 2)

# --- scband reference (transcript-rebuilt; emitter-appended) ---
"""Pipeline reference for scband-vocab-parallel-embedding-10024453669110 (READ-ONLY COPY).

The authoritative reference and input builder live on the scoring server;
editing this copy changes nothing except your own understanding.
"""

import jax, jax.numpy as jnp
import numpy as np

NUM_EMBEDDINGS = 1000000
EMBEDDING_DIM = 64

def setup_inputs(seed: int = 0) -> dict:
    key = jax.random.key(seed)
    k_idx, k_w = jax.random.split(key)
    x = jax.random.randint(k_idx, (16384, 50), 0, NUM_EMBEDDINGS, dtype=jnp.int64 if jax.config.jax_enable_x64 else jnp.int32)
    weight = jax.random.normal(k_w, (NUM_EMBEDDINGS, EMBEDDING_DIM), dtype=jnp.float32) * 0.01
    return {"x": x, "weight": weight}

def reference(x, weight):
    # VocabParallelEmbedding.__call__: simple embedding gather
    return weight[x]

if __name__ == "__main__":
    import jax
    _d = setup_inputs()
    print(jax.jit(kernel)(*tuple(_d.values())))

</pallas_src>

<mosaic_0001>
#map = affine_map<(d0, d1) -> (0, 0)>
#map1 = affine_map<(d0, d1) -> (0, 0, 0)>
module attributes {stable_mosaic.version = 14 : i64} {
  func.func @k(%arg0: i32, %arg1: i32, %arg2: memref<6400x128xi32, #tpu.memory_space<hbm>>, %arg3: memref<1000000x64xf32, #tpu.memory_space<hbm>>, %arg4: memref<6400x128x64xf32, #tpu.memory_space<hbm>>, %arg5: memref<200x128xi32, #tpu.memory_space<vmem>>, %arg6: memref<8x128x64xf32, #tpu.memory_space<vmem>>, %arg7: memref<!tpu.dma_semaphore, #tpu.memory_space<semaphore_mem>>, %arg8: memref<!tpu.dma_semaphore, #tpu.memory_space<semaphore_mem>>) attributes {dimension_semantics = [#tpu.dimension_semantics<core_parallel>, #tpu.dimension_semantics<subcore_parallel>], iteration_bounds = array<i64: 2, 16>, scalar_prefetch = 0 : i64, scratch_operands = 4 : i64, tpu.core_type = #tpu.core_type<sc_vector_subcore>, window_params = [{transform_indices = #map}, {transform_indices = #map}, {transform_indices = #map1}]} {
    %mul3A = arith.constant 2 : i32
    %mul3A_0 = arith.muli %arg1, %mul3A : i32
    %add3A = arith.addi %mul3A_0, %arg0 : i32
    %mul3A_1 = arith.constant 200 : i32
    %mul3A_2 = arith.muli %add3A, %mul3A_1 : i32
    "tpu.region"() ({
      %run_scoped3A = tpu.sem_alloc : memref<!tpu.dma_semaphore, #tpu.memory_space<semaphore_mem>>
      %dma_start3A_233 = arith.constant 0 : i32
      %dma_start3A_234 = tpu.memref_slice %arg2[%mul3A_2, %dma_start3A_233] : memref<6400x128xi32, #tpu.memory_space<hbm>> -> memref<200x128xi32, #tpu.memory_space<hbm>>
      %dma_start3A_235 = arith.constant 0 : i32
      %dma_start3A_236 = tpu.memref_slice %arg2[%mul3A_2, %dma_start3A_235] : memref<6400x128xi32, #tpu.memory_space<hbm>> -> memref<200x128xi32, #tpu.memory_space<hbm>>
      tpu.enqueue_dma source(%dma_start3A_236 : memref<200x128xi32, #tpu.memory_space<hbm>>) target(%arg5 : memref<200x128xi32, #tpu.memory_space<vmem>>) target_semaphore(%run_scoped3A : memref<!tpu.dma_semaphore, #tpu.memory_space<semaphore_mem>>)
      %dma_wait3A_237 = arith.constant 0 : i32
      %dma_wait3A_238 = tpu.memref_slice %arg2[%mul3A_2, %dma_wait3A_237] : memref<6400x128xi32, #tpu.memory_space<hbm>> -> memref<200x128xi32, #tpu.memory_space<hbm>>
      %dma_wait3A_239 = arith.constant 0 : i32
      %dma_wait3A_240 = tpu.memref_slice %arg2[%mul3A_2, %dma_wait3A_239] : memref<6400x128xi32, #tpu.memory_space<hbm>> -> memref<200x128xi32, #tpu.memory_space<hbm>>
      tpu.wait_dma2 semaphore(%run_scoped3A : memref<!tpu.dma_semaphore, #tpu.memory_space<semaphore_mem>>) src(%dma_wait3A_240 : memref<200x128xi32, #tpu.memory_space<hbm>>) dst(%arg5 : memref<200x128xi32, #tpu.memory_space<vmem>>)
      tpu.yield
    }) : () -> ()
    %dma_start3A = arith.constant 0 : i32
    %dma_start3A_3 = arith.constant 0 : i32
    %dma_start3A_4 = arith.constant 0 : i32
    %dma_start3A_5 = arith.constant 0 : i32
    %dma_start3A_6 = tpu.memref_slice %arg6[%dma_start3A_3, %dma_start3A_4, %dma_start3A_5] : memref<8x128x64xf32, #tpu.memory_space<vmem>> -> memref<1x128x64xf32, #tpu.memory_space<vmem>>
    %dma_start3A_7 = tpu.memref_squeeze %dma_start3A_6 : memref<1x128x64xf32, #tpu.memory_space<vmem>> -> memref<128x64xf32, #tpu.memory_space<vmem>>
    %dma_start3A_8 = arith.constant 0 : i32
    %dma_start3A_9 = tpu.memref_slice %arg5[%dma_start3A, %dma_start3A_8] : memref<200x128xi32, #tpu.memory_space<vmem>> -> memref<1x128xi32, #tpu.memory_space<vmem>>
    %dma_start3A_10 = tpu.memref_squeeze %dma_start3A_9 : memref<1x128xi32, #tpu.memory_space<vmem>> -> memref<128xi32, #tpu.memory_space<vmem>>
    %dma_start3A_11 = arith.constant 0 : i32
    %dma_start3A_12 = arith.constant 0 : i32
    %dma_start3A_13 = tpu.memref_slice %arg3[%dma_start3A_11, %dma_start3A_12] : memref<1000000x64xf32, #tpu.memory_space<hbm>> -> memref<1000000x64xf32, #tpu.memory_space<hbm>>
    tpu.enqueue_indirect_dma source(%dma_start3A_13 : memref<1000000x64xf32, #tpu.memory_space<hbm>>) target(%dma_start3A_7 : memref<128x64xf32, #tpu.memory_space<vmem>>) offsets(%dma_start3A_10 : memref<128xi32, #tpu.memory_space<vmem>>) semaphore(%arg7 : memref<!tpu.dma_semaphore, #tpu.memory_space<semaphore_mem>>)
    %dma_start3A_14 = arith.constant 1 : i32
    %dma_start3A_15 = arith.constant 1 : i32
    %dma_start3A_16 = arith.constant 0 : i32
    %dma_start3A_17 = arith.constant 0 : i32
    %dma_start3A_18 = tpu.memref_slice %arg6[%dma_start3A_15, %dma_start3A_16, %dma_start3A_17] : memref<8x128x64xf32, #tpu.memory_space<vmem>> -> memref<1x128x64xf32, #tpu.memory_space<vmem>>
    %dma_start3A_19 = tpu.memref_squeeze %dma_start3A_18 : memref<1x128x64xf32, #tpu.memory_space<vmem>> -> memref<128x64xf32, #tpu.memory_space<vmem>>
    %dma_start3A_20 = arith.constant 0 : i32
    %dma_start3A_21 = tpu.memref_slice %arg5[%dma_start3A_14, %dma_start3A_20] : memref<200x128xi32, #tpu.memory_space<vmem>> -> memref<1x128xi32, #tpu.memory_space<vmem>>
    %dma_start3A_22 = tpu.memref_squeeze %dma_start3A_21 : memref<1x128xi32, #tpu.memory_space<vmem>> -> memref<128xi32, #tpu.memory_space<vmem>>
    %dma_start3A_23 = arith.constant 0 : i32
    %dma_start3A_24 = arith.constant 0 : i32
    %dma_start3A_25 = tpu.memref_slice %arg3[%dma_start3A_23, %dma_start3A_24] : memref<1000000x64xf32, #tpu.memory_space<hbm>> -> memref<1000000x64xf32, #tpu.memory_space<hbm>>
    tpu.enqueue_indirect_dma source(%dma_start3A_25 : memref<1000000x64xf32, #tpu.memory_space<hbm>>) target(%dma_start3A_19 : memref<128x64xf32, #tpu.memory_space<vmem>>) offsets(%dma_start3A_22 : memref<128xi32, #tpu.memory_space<vmem>>) semaphore(%arg7 : memref<!tpu.dma_semaphore, #tpu.memory_space<semaphore_mem>>)
    %dma_start3A_26 = arith.constant 2 : i32
    %dma_start3A_27 = arith.constant 2 : i32
    %dma_start3A_28 = arith.constant 0 : i32
    %dma_start3A_29 = arith.constant 0 : i32
    %dma_start3A_30 = tpu.memref_slice %arg6[%dma_start3A_27, %dma_start3A_28, %dma_start3A_29] : memref<8x128x64xf32, #tpu.memory_space<vmem>> -> memref<1x128x64xf32, #tpu.memory_space<vmem>>
    %dma_start3A_31 = tpu.memref_squeeze %dma_start3A_30 : memref<1x128x64xf32, #tpu.memory_space<vmem>> -> memref<128x64xf32, #tpu.memory_space<vmem>>
    %dma_start3A_32 = arith.constant 0 : i32
    %dma_start3A_33 = tpu.memref_slice %arg5[%dma_start3A_26, %dma_start3A_32] : memref<200x128xi32, #tpu.memory_space<vmem>> -> memref<1x128xi32, #tpu.memory_space<vmem>>
    %dma_start3A_34 = tpu.memref_squeeze %dma_start3A_33 : memref<1x128xi32, #tpu.memory_space<vmem>> -> memref<128xi32, #tpu.memory_space<vmem>>
    %dma_start3A_35 = arith.constant 0 : i32
    %dma_start3A_36 = arith.constant 0 : i32
    %dma_start3A_37 = tpu.memref_slice %arg3[%dma_start3A_35, %dma_start3A_36] : memref<1000000x64xf32, #tpu.memory_space<hbm>> -> memref<1000000x64xf32, #tpu.memory_space<hbm>>
    tpu.enqueue_indirect_dma source(%dma_start3A_37 : memref<1000000x64xf32, #tpu.memory_space<hbm>>) target(%dma_start3A_31 : memref<128x64xf32, #tpu.memory_space<vmem>>) offsets(%dma_start3A_34 : memref<128xi32, #tpu.memory_space<vmem>>) semaphore(%arg7 : memref<!tpu.dma_semaphore, #tpu.memory_space<semaphore_mem>>)
    %dma_start3A_38 = arith.constant 3 : i32
    %dma_start3A_39 = arith.constant 3 : i32
    %dma_start3A_40 = arith.constant 0 : i32
    %dma_start3A_41 = arith.constant 0 : i32
    %dma_start3A_42 = tpu.memref_slice %arg6[%dma_start3A_39, %dma_start3A_40, %dma_start3A_41] : memref<8x128x64xf32, #tpu.memory_space<vmem>> -> memref<1x128x64xf32, #tpu.memory_space<vmem>>
    %dma_start3A_43 = tpu.memref_squeeze %dma_start3A_42 : memref<1x128x64xf32, #tpu.memory_space<vmem>> -> memref<128x64xf32, #tpu.memory_space<vmem>>
    %dma_start3A_44 = arith.constant 0 : i32
    %dma_start3A_45 = tpu.memref_slice %arg5[%dma_start3A_38, %dma_start3A_44] : memref<200x128xi32, #tpu.memory_space<vmem>> -> memref<1x128xi32, #tpu.memory_space<vmem>>
    %dma_start3A_46 = tpu.memref_squeeze %dma_start3A_45 : memref<1x128xi32, #tpu.memory_space<vmem>> -> memref<128xi32, #tpu.memory_space<vmem>>
    %dma_start3A_47 = arith.constant 0 : i32
    %dma_start3A_48 = arith.constant 0 : i32
    %dma_start3A_49 = tpu.memref_slice %arg3[%dma_start3A_47, %dma_start3A_48] : memref<1000000x64xf32, #tpu.memory_space<hbm>> -> memref<1000000x64xf32, #tpu.memory_space<hbm>>
    tpu.enqueue_indirect_dma source(%dma_start3A_49 : memref<1000000x64xf32, #tpu.memory_space<hbm>>) target(%dma_start3A_43 : memref<128x64xf32, #tpu.memory_space<vmem>>) offsets(%dma_start3A_46 : memref<128xi32, #tpu.memory_space<vmem>>) semaphore(%arg7 : memref<!tpu.dma_semaphore, #tpu.memory_space<semaphore_mem>>)
    %dma_start3A_50 = arith.constant 4 : i32
    %dma_start3A_51 = arith.constant 4 : i32
    %dma_start3A_52 = arith.constant 0 : i32
    %dma_start3A_53 = arith.constant 0 : i32
    %dma_start3A_54 = tpu.memref_slice %arg6[%dma_start3A_51, %dma_start3A_52, %dma_start3A_53] : memref<8x128x64xf32, #tpu.memory_space<vmem>> -> memref<1x128x64xf32, #tpu.memory_space<vmem>>
    %dma_start3A_55 = tpu.memref_squeeze %dma_start3A_54 : memref<1x128x64xf32, #tpu.memory_space<vmem>> -> memref<128x64xf32, #tpu.memory_space<vmem>>
    %dma_start3A_56 = arith.constant 0 : i32
    %dma_start3A_57 = tpu.memref_slice %arg5[%dma_start3A_50, %dma_start3A_56] : memref<200x128xi32, #tpu.memory_space<vmem>> -> memref<1x128xi32, #tpu.memory_space<vmem>>
    %dma_start3A_58 = tpu.memref_squeeze %dma_start3A_57 : memref<1x128xi32, #tpu.memory_space<vmem>> -> memref<128xi32, #tpu.memory_space<vmem>>
    %dma_start3A_59 = arith.constant 0 : i32
    %dma_start3A_60 = arith.constant 0 : i32
    %dma_start3A_61 = tpu.memref_slice %arg3[%dma_start3A_59, %dma_start3A_60] : memref<1000000x64xf32, #tpu.memory_space<hbm>> -> memref<1000000x64xf32, #tpu.memory_space<hbm>>
    tpu.enqueue_indirect_dma source(%dma_start3A_61 : memref<1000000x64xf32, #tpu.memory_space<hbm>>) target(%dma_start3A_55 : memref<128x64xf32, #tpu.memory_space<vmem>>) offsets(%dma_start3A_58 : memref<128xi32, #tpu.memory_space<vmem>>) semaphore(%arg7 : memref<!tpu.dma_semaphore, #tpu.memory_space<semaphore_mem>>)
    %dma_start3A_62 = arith.constant 5 : i32
    %dma_start3A_63 = arith.constant 5 : i32
    %dma_start3A_64 = arith.constant 0 : i32
    %dma_start3A_65 = arith.constant 0 : i32
    %dma_start3A_66 = tpu.memref_slice %arg6[%dma_start3A_63, %dma_start3A_64, %dma_start3A_65] : memref<8x128x64xf32, #tpu.memory_space<vmem>> -> memref<1x128x64xf32, #tpu.memory_space<vmem>>
    %dma_start3A_67 = tpu.memref_squeeze %dma_start3A_66 : memref<1x128x64xf32, #tpu.memory_space<vmem>> -> memref<128x64xf32, #tpu.memory_space<vmem>>
    %dma_start3A_68 = arith.constant 0 : i32
    %dma_start3A_69 = tpu.memref_slice %arg5[%dma_start3A_62, %dma_start3A_68] : memref<200x128xi32, #tpu.memory_space<vmem>> -> memref<1x128xi32, #tpu.memory_space<vmem>>
    %dma_start3A_70 = tpu.memref_squeeze %dma_start3A_69 : memref<1x128xi32, #tpu.memory_space<vmem>> -> memref<128xi32, #tpu.memory_space<vmem>>
    %dma_start3A_71 = arith.constant 0 : i32
    %dma_start3A_72 = arith.constant 0 : i32
    %dma_start3A_73 = tpu.memref_slice %arg3[%dma_start3A_71, %dma_start3A_72] : memref<1000000x64xf32, #tpu.memory_space<hbm>> -> memref<1000000x64xf32, #tpu.memory_space<hbm>>
    tpu.enqueue_indirect_dma source(%dma_start3A_73 : memref<1000000x64xf32, #tpu.memory_space<hbm>>) target(%dma_start3A_67 : memref<128x64xf32, #tpu.memory_space<vmem>>) offsets(%dma_start3A_70 : memref<128xi32, #tpu.memory_space<vmem>>) semaphore(%arg7 : memref<!tpu.dma_semaphore, #tpu.memory_space<semaphore_mem>>)
    %dma_start3A_74 = arith.constant 6 : i32
    %dma_start3A_75 = arith.constant 6 : i32
    %dma_start3A_76 = arith.constant 0 : i32
    %dma_start3A_77 = arith.constant 0 : i32
    %dma_start3A_78 = tpu.memref_slice %arg6[%dma_start3A_75, %dma_start3A_76, %dma_start3A_77] : memref<8x128x64xf32, #tpu.memory_space<vmem>> -> memref<1x128x64xf32, #tpu.memory_space<vmem>>
    %dma_start3A_79 = tpu.memref_squeeze %dma_start3A_78 : memref<1x128x64xf32, #tpu.memory_space<vmem>> -> memref<128x64xf32, #tpu.memory_space<vmem>>
    %dma_start3A_80 = arith.constant 0 : i32
    %dma_start3A_81 = tpu.memref_slice %arg5[%dma_start3A_74, %dma_start3A_80] : memref<200x128xi32, #tpu.memory_space<vmem>> -> memref<1x128xi32, #tpu.memory_space<vmem>>
    %dma_start3A_82 = tpu.memref_squeeze %dma_start3A_81 : memref<1x128xi32, #tpu.memory_space<vmem>> -> memref<128xi32, #tpu.memory_space<vmem>>
    %dma_start3A_83 = arith.constant 0 : i32
    %dma_start3A_84 = arith.constant 0 : i32
    %dma_start3A_85 = tpu.memref_slice %arg3[%dma_start3A_83, %dma_start3A_84] : memref<1000000x64xf32, #tpu.memory_space<hbm>> -> memref<1000000x64xf32, #tpu.memory_space<hbm>>
    tpu.enqueue_indirect_dma source(%dma_start3A_85 : memref<1000000x64xf32, #tpu.memory_space<hbm>>) target(%dma_start3A_79 : memref<128x64xf32, #tpu.memory_space<vmem>>) offsets(%dma_start3A_82 : memref<128xi32, #tpu.memory_space<vmem>>) semaphore(%arg7 : memref<!tpu.dma_semaphore, #tpu.memory_space<semaphore_mem>>)
    %scan3A = arith.constant 0 : i32
    %scan3A_86 = arith.constant 200 : i32
    %scan3A_87 = arith.addi %scan3A, %scan3A_86 : i32
    %scan3A_88 = arith.constant 1 : i32
    scf.for %scan3A_233 = %scan3A to %scan3A_87 step %scan3A_88  : i32 {
      %mul3A_234 = arith.constant 1 : i32
      %mul3A_235 = arith.muli %scan3A_233, %mul3A_234 : i32
      %add3A_236 = arith.constant 0 : i32
      %add3A_237 = arith.addi %add3A_236, %mul3A_235 : i32
      %jit3A = arith.constant 8 : i32
      %eq3A = arith.constant 0 : i32
      %eq3A_238 = arith.cmpi eq, %jit3A, %eq3A : i32
      %jit3A_239 = arith.constant 1 : i32
      %select_n3A = arith.select %eq3A_238, %jit3A_239, %jit3A : i32
      %rem3A = arith.remsi %add3A_237, %select_n3A : i32
      %ne3A = arith.constant 0 : i32
      %ne3A_240 = arith.cmpi ne, %rem3A, %ne3A : i32
      %lt3A = arith.constant 0 : i32
      %lt3A_241 = arith.cmpi slt, %rem3A, %lt3A : i32
      %lt3A_242 = arith.constant 0 : i32
      %lt3A_243 = arith.cmpi slt, %select_n3A, %lt3A_242 : i32
      %ne3A_244 = arith.xori %lt3A_241, %lt3A_243 : i1
      %and3A = arith.andi %ne3A_244, %ne3A_240 : i1
      %add3A_245 = arith.addi %rem3A, %select_n3A : i32
      %select_n3A_246 = arith.select %and3A, %add3A_245, %rem3A : i32
      %dma_wait3A_247 = arith.constant 0 : i32
      %dma_wait3A_248 = arith.constant 0 : i32
      %dma_wait3A_249 = tpu.memref_slice %arg6[%select_n3A_246, %dma_wait3A_247, %dma_wait3A_248] : memref<8x128x64xf32, #tpu.memory_space<vmem>> -> memref<1x128x64xf32, #tpu.memory_space<vmem>>
      %dma_wait3A_250 = tpu.memref_squeeze %dma_wait3A_249 : memref<1x128x64xf32, #tpu.memory_space<vmem>> -> memref<128x64xf32, #tpu.memory_space<vmem>>
      %dma_wait3A_251 = arith.constant 0 : i32
      %dma_wait3A_252 = arith.constant 0 : i32
      %dma_wait3A_253 = tpu.memref_slice %arg3[%dma_wait3A_251, %dma_wait3A_252] : memref<1000000x64xf32, #tpu.memory_space<hbm>> -> memref<128x64xf32, #tpu.memory_space<hbm>>
      %dma_wait3A_254 = arith.constant 0 : i32
      %dma_wait3A_255 = arith.constant 0 : i32
      %dma_wait3A_256 = tpu.memref_slice %arg6[%select_n3A_246, %dma_wait3A_254, %dma_wait3A_255] : memref<8x128x64xf32, #tpu.memory_space<vmem>> -> memref<1x128x64xf32, #tpu.memory_space<vmem>>
      %dma_wait3A_257 = tpu.memref_squeeze %dma_wait3A_256 : memref<1x128x64xf32, #tpu.memory_space<vmem>> -> memref<128x64xf32, #tpu.memory_space<vmem>>
      %dma_wait3A_258 = arith.constant 0 : i32
      %dma_wait3A_259 = arith.constant 0 : i32
      %dma_wait3A_260 = tpu.memref_slice %arg3[%dma_wait3A_258, %dma_wait3A_259] : memref<1000000x64xf32, #tpu.memory_space<hbm>> -> memref<128x64xf32, #tpu.memory_space<hbm>>
      tpu.wait_dma2 semaphore(%arg7 : memref<!tpu.dma_semaphore, #tpu.memory_space<semaphore_mem>>) src(%dma_wait3A_260 : memref<128x64xf32, #tpu.memory_space<hbm>>) dst(%dma_wait3A_257 : memref<128x64xf32, #tpu.memory_space<vmem>>)
      %add3A_261 = arith.addi %mul3A_2, %add3A_237 : i32
      %dma_start3A_262 = arith.constant 0 : i32
      %dma_start3A_263 = arith.constant 0 : i32
      %dma_start3A_264 = tpu.memref_slice %arg6[%select_n3A_246, %dma_start3A_262, %dma_start3A_263] : memref<8x128x64xf32, #tpu.memory_space<vmem>> -> memref<1x128x64xf32, #tpu.memory_space<vmem>>
      %dma_start3A_265 = tpu.memref_squeeze %dma_start3A_264 : memref<1x128x64xf32, #tpu.memory_space<vmem>> -> memref<128x64xf32, #tpu.memory_space<vmem>>
      %dma_start3A_266 = arith.constant 0 : i32
      %dma_start3A_267 = arith.constant 0 : i32
      %dma_start3A_268 = tpu.memref_slice %arg4[%add3A_261, %dma_start3A_266, %dma_start3A_267] : memref<6400x128x64xf32, #tpu.memory_space<hbm>> -> memref<1x128x64xf32, #tpu.memory_space<hbm>>
      %dma_start3A_269 = tpu.memref_squeeze %dma_start3A_268 : memref<1x128x64xf32, #tpu.memory_space<hbm>> -> memref<128x64xf32, #tpu.memory_space<hbm>>
      %dma_start3A_270 = arith.constant 0 : i32
      %dma_start3A_271 = arith.constant 0 : i32
      %dma_start3A_272 = tpu.memref_slice %arg4[%add3A_261, %dma_start3A_270, %dma_start3A_271] : memref<6400x128x64xf32, #tpu.memory_space<hbm>> -> memref<1x128x64xf32, #tpu.memory_space<hbm>>
      %dma_start3A_273 = tpu.memref_squeeze %dma_start3A_272 : memref<1x128x64xf32, #tpu.memory_space<hbm>> -> memref<128x64xf32, #tpu.memory_space<hbm>>
      %dma_start3A_274 = arith.constant 0 : i32
      %dma_start3A_275 = arith.constant 0 : i32
      %dma_start3A_276 = tpu.memref_slice %arg6[%select_n3A_246, %dma_start3A_274, %dma_start3A_275] : memref<8x128x64xf32, #tpu.memory_space<vmem>> -> memref<1x128x64xf32, #tpu.memory_space<vmem>>
      %dma_start3A_277 = tpu.memref_squeeze %dma_start3A_276 : memref<1x128x64xf32, #tpu.memory_space<vmem>> -> memref<128x64xf32, #tpu.memory_space<vmem>>
      tpu.enqueue_dma source(%dma_start3A_277 : memref<128x64xf32, #tpu.memory_space<vmem>>) target(%dma_start3A_273 : memref<128x64xf32, #tpu.memory_space<hbm>>) target_semaphore(%arg8 : memref<!tpu.dma_semaphore, #tpu.memory_space<semaphore_mem>>)
      %add3A_278 = arith.constant 8 : i32
      %add3A_279 = arith.addi %add3A_237, %add3A_278 : i32
      %sub3A = arith.constant 1 : i32
      %sub3A_280 = arith.subi %add3A_279, %sub3A : i32
      %lt3A_281 = arith.constant 200 : i32
      %lt3A_282 = arith.cmpi slt, %sub3A_280, %lt3A_281 : i32
      %convert_element_type3A = arith.extui %lt3A_282 : i1 to i32
      %cond3A = arith.constant 0 : i32
      %cond3A_283 = arith.cmpi ne, %convert_element_type3A, %cond3A : i32
      scf.if %cond3A_283 {
        %ge3A = arith.constant 1 : i32
        %ge3A_284 = arith.cmpi sge, %add3A_237, %ge3A : i32
        %convert_element_type3A_285 = arith.extui %ge3A_284 : i1 to i32
        %cond3A_286 = arith.constant 0 : i32
        %cond3A_287 = arith.cmpi ne, %convert_element_type3A_285, %cond3A_286 : i32
        scf.if %cond3A_287 {
          %dma_wait3A_314 = arith.constant 0 : i32
          %dma_wait3A_315 = arith.constant 0 : i32
          %dma_wait3A_316 = arith.constant 0 : i32
          %dma_wait3A_317 = arith.constant 0 : i32
          %dma_wait3A_318 = tpu.memref_slice %arg6[%dma_wait3A_314, %dma_wait3A_316, %dma_wait3A_317] : memref<8x128x64xf32, #tpu.memory_space<vmem>> -> memref<1x128x64xf32, #tpu.memory_space<vmem>>
          %dma_wait3A_319 = tpu.memref_squeeze %dma_wait3A_318 : memref<1x128x64xf32, #tpu.memory_space<vmem>> -> memref<128x64xf32, #tpu.memory_space<vmem>>
          %dma_wait3A_320 = arith.constant 0 : i32
          %dma_wait3A_321 = arith.constant 0 : i32
          %dma_wait3A_322 = tpu.memref_slice %arg4[%dma_wait3A_315, %dma_wait3A_320, %dma_wait3A_321] : memref<6400x128x64xf32, #tpu.memory_space<hbm>> -> memref<1x128x64xf32, #tpu.memory_space<hbm>>
          %dma_wait3A_323 = tpu.memref_squeeze %dma_wait3A_322 : memref<1x128x64xf32, #tpu.memory_space<hbm>> -> memref<128x64xf32, #tpu.memory_space<hbm>>
          %dma_wait3A_324 = arith.constant 0 : i32
          %dma_wait3A_325 = arith.constant 0 : i32
          %dma_wait3A_326 = tpu.memref_slice %arg4[%dma_wait3A_315, %dma_wait3A_324, %dma_wait3A_325] : memref<6400x128x64xf32, #tpu.memory_space<hbm>> -> memref<1x128x64xf32, #tpu.memory_space<hbm>>
          %dma_wait3A_327 = tpu.memref_squeeze %dma_wait3A_326 : memref<1x128x64xf32, #tpu.memory_space<hbm>> -> memref<128x64xf32, #tpu.memory_space<hbm>>
          %dma_wait3A_328 = arith.constant 0 : i32
          %dma_wait3A_329 = arith.constant 0 : i32
          %dma_wait3A_330 = tpu.memref_slice %arg6[%dma_wait3A_314, %dma_wait3A_328, %dma_wait3A_329] : memref<8x128x64xf32, #tpu.memory_space<vmem>> -> memref<1x128x64xf32, #tpu.memory_space<vmem>>
          %dma_wait3A_331 = tpu.memref_squeeze %dma_wait3A_330 : memref<1x128x64xf32, #tpu.memory_space<vmem>> -> memref<128x64xf32, #tpu.memory_space<vmem>>
          tpu.wait_dma2 semaphore(%arg8 : memref<!tpu.dma_semaphore, #tpu.memory_space<semaphore_mem>>) src(%dma_wait3A_331 : memref<128x64xf32, #tpu.memory_space<vmem>>) dst(%dma_wait3A_327 : memref<128x64xf32, #tpu.memory_space<hbm>>)
        } else {
        }
        %jit3A_288 = arith.constant 8 : i32
        %eq3A_289 = arith.constant 0 : i32
        %eq3A_290 = arith.cmpi eq, %jit3A_288, %eq3A_289 : i32
        %jit3A_291 = arith.constant 1 : i32
        %select_n3A_292 = arith.select %eq3A_290, %jit3A_291, %jit3A_288 : i32
        %rem3A_293 = arith.remsi %sub3A_280, %select_n3A_292 : i32
        %ne3A_294 = arith.constant 0 : i32
        %ne3A_295 = arith.cmpi ne, %rem3A_293, %ne3A_294 : i32
        %lt3A_296 = arith.constant 0 : i32
        %lt3A_297 = arith.cmpi slt, %rem3A_293, %lt3A_296 : i32
        %lt3A_298 = arith.constant 0 : i32
        %lt3A_299 = arith.cmpi slt, %select_n3A_292, %lt3A_298 : i32
        %ne3A_300 = arith.xori %lt3A_297, %lt3A_299 : i1
        %and3A_301 = arith.andi %ne3A_300, %ne3A_295 : i1
        %add3A_302 = arith.addi %rem3A_293, %select_n3A_292 : i32
        %select_n3A_303 = arith.select %and3A_301, %add3A_302, %rem3A_293 : i32
        %dma_start3A_304 = arith.constant 0 : i32
        %dma_start3A_305 = arith.constant 0 : i32
        %dma_start3A_306 = tpu.memref_slice %arg6[%select_n3A_303, %dma_start3A_304, %dma_start3A_305] : memref<8x128x64xf32, #tpu.memory_space<vmem>> -> memref<1x128x64xf32, #tpu.memory_space<vmem>>
        %dma_start3A_307 = tpu.memref_squeeze %dma_start3A_306 : memref<1x128x64xf32, #tpu.memory_space<vmem>> -> memref<128x64xf32, #tpu.memory_space<vmem>>
        %dma_start3A_308 = arith.constant 0 : i32
        %dma_start3A_309 = tpu.memref_slice %arg5[%sub3A_280, %dma_start3A_308] : memref<200x128xi32, #tpu.memory_space<vmem>> -> memref<1x128xi32, #tpu.memory_space<vmem>>
        %dma_start3A_310 = tpu.memref_squeeze %dma_start3A_309 : memref<1x128xi32, #tpu.memory_space<vmem>> -> memref<128xi32, #tpu.memory_space<vmem>>
        %dma_start3A_311 = arith.constant 0 : i32
        %dma_start3A_312 = arith.constant 0 : i32
        %dma_start3A_313 = tpu.memref_slice %arg3[%dma_start3A_311, %dma_start3A_312] : memref<1000000x64xf32, #tpu.memory_space<hbm>> -> memref<1000000x64xf32, #tpu.memory_space<hbm>>
        tpu.enqueue_indirect_dma source(%dma_start3A_313 : memref<1000000x64xf32, #tpu.memory_space<hbm>>) target(%dma_start3A_307 : memref<128x64xf32, #tpu.memory_space<vmem>>) offsets(%dma_start3A_310 : memref<128xi32, #tpu.memory_space<vmem>>) semaphore(%arg7 : memref<!tpu.dma_semaphore, #tpu.memory_space<semaphore_mem>>)
      } else {
      }
    }
    %scan3A_89 = arith.constant 200 : i32
    %dma_wait3A = arith.constant 0 : i32
    %dma_wait3A_90 = arith.constant 0 : i32
    %dma_wait3A_91 = arith.constant 0 : i32
    %dma_wait3A_92 = arith.constant 0 : i32
    %dma_wait3A_93 = tpu.memref_slice %arg6[%dma_wait3A, %dma_wait3A_91, %dma_wait3A_92] : memref<8x128x64xf32, #tpu.memory_space<vmem>> -> memref<1x128x64xf32, #tpu.memory_space<vmem>>
    %dma_wait3A_94 = tpu.memref_squeeze %dma_wait3A_93 : memref<1x128x64xf32, #tpu.memory_space<vmem>> -> memref<128x64xf32, #tpu.memory_space<vmem>>
    %dma_wait3A_95 = arith.constant 0 : i32
    %dma_wait3A_96 = arith.constant 0 : i32
    %dma_wait3A_97 = tpu.memref_slice %arg4[%dma_wait3A_90, %dma_wait3A_95, %dma_wait3A_96] : memref<6400x128x64xf32, #tpu.memory_space<hbm>> -> memref<1x128x64xf32, #tpu.memory_space<hbm>>
    %dma_wait3A_98 = tpu.memref_squeeze %dma_wait3A_97 : memref<1x128x64xf32, #tpu.memory_space<hbm>> -> memref<128x64xf32, #tpu.memory_space<hbm>>
    %dma_wait3A_99 = arith.constant 0 : i32
    %dma_wait3A_100 = arith.constant 0 : i32
    %dma_wait3A_101 = tpu.memref_slice %arg4[%dma_wait3A_90, %dma_wait3A_99, %dma_wait3A_100] : memref<6400x128x64xf32, #tpu.memory_space<hbm>> -> memref<1x128x64xf32, #tpu.memory_space<hbm>>
    %dma_wait3A_102 = tpu.memref_squeeze %dma_wait3A_101 : memref<1x128x64xf32, #tpu.memory_space<hbm>> -> memref<128x64xf32, #tpu.memory_space<hbm>>
    %dma_wait3A_103 = arith.constant 0 : i32
    %dma_wait3A_104 = arith.constant 0 : i32
    %dma_wait3A_105 = tpu.memref_slice %arg6[%dma_wait3A, %dma_wait3A_103, %dma_wait3A_104] : memref<8x128x64xf32, #tpu.memory_space<vmem>> -> memref<1x128x64xf32, #tpu.memory_space<vmem>>
    %dma_wait3A_106 = tpu.memref_squeeze %dma_wait3A_105 : memref<1x128x64xf32, #tpu.memory_space<vmem>> -> memref<128x64xf32, #tpu.memory_space<vmem>>
    tpu.wait_dma2 semaphore(%arg8 : memref<!tpu.dma_semaphore, #tpu.memory_space<semaphore_mem>>) src(%dma_wait3A_106 : memref<128x64xf32, #tpu.memory_space<vmem>>) dst(%dma_wait3A_102 : memref<128x64xf32, #tpu.memory_space<hbm>>)
    %dma_wait3A_107 = arith.constant 0 : i32
    %dma_wait3A_108 = arith.constant 0 : i32
    %dma_wait3A_109 = arith.constant 0 : i32
    %dma_wait3A_110 = arith.constant 0 : i32
    %dma_wait3A_111 = tpu.memref_slice %arg6[%dma_wait3A_107, %dma_wait3A_109, %dma_wait3A_110] : memref<8x128x64xf32, #tpu.memory_space<vmem>> -> memref<1x128x64xf32, #tpu.memory_space<vmem>>
    %dma_wait3A_112 = tpu.memref_squeeze %dma_wait3A_111 : memref<1x128x64xf32, #tpu.memory_space<vmem>> -> memref<128x64xf32, #tpu.memory_space<vmem>>
    %dma_wait3A_113 = arith.constant 0 : i32
    %dma_wait3A_114 = arith.constant 0 : i32
    %dma_wait3A_115 = tpu.memref_slice %arg4[%dma_wait3A_108, %dma_wait3A_113, %dma_wait3A_114] : memref<6400x128x64xf32, #tpu.memory_space<hbm>> -> memref<1x128x64xf32, #tpu.memory_space<hbm>>
    %dma_wait3A_116 = tpu.memref_squeeze %dma_wait3A_115 : memref<1x128x64xf32, #tpu.memory_space<hbm>> -> memref<128x64xf32, #tpu.memory_space<hbm>>
    %dma_wait3A_117 = arith.constant 0 : i32
    %dma_wait3A_118 = arith.constant 0 : i32
    %dma_wait3A_119 = tpu.memref_slice %arg4[%dma_wait3A_108, %dma_wait3A_117, %dma_wait3A_118] : memref<6400x128x64xf32, #tpu.memory_space<hbm>> -> memref<1x128x64xf32, #tpu.memory_space<hbm>>
    %dma_wait3A_120 = tpu.memref_squeeze %dma_wait3A_119 : memref<1x128x64xf32, #tpu.memory_space<hbm>> -> memref<128x64xf32, #tpu.memory_space<hbm>>
    %dma_wait3A_121 = arith.constant 0 : i32
    %dma_wait3A_122 = arith.constant 0 : i32
    %dma_wait3A_123 = tpu.memref_slice %arg6[%dma_wait3A_107, %dma_wait3A_121, %dma_wait3A_122] : memref<8x128x64xf32, #tpu.memory_space<vmem>> -> memref<1x128x64xf32, #tpu.memory_space<vmem>>
    %dma_wait3A_124 = tpu.memref_squeeze %dma_wait3A_123 : memref<1x128x64xf32, #tpu.memory_space<vmem>> -> memref<128x64xf32, #tpu.memory_space<vmem>>
    tpu.wait_dma2 semaphore(%arg8 : memref<!tpu.dma_semaphore, #tpu.memory_space<semaphore_mem>>) src(%dma_wait3A_124 : memref<128x64xf32, #tpu.memory_space<vmem>>) dst(%dma_wait3A_120 : memref<128x64xf32, #tpu.memory_space<hbm>>)
    %dma_wait3A_125 = arith.constant 0 : i32
    %dma_wait3A_126 = arith.constant 0 : i32
    %dma_wait3A_127 = arith.constant 0 : i32
    %dma_wait3A_128 = arith.constant 0 : i32
    %dma_wait3A_129 = tpu.memref_slice %arg6[%dma_wait3A_125, %dma_wait3A_127, %dma_wait3A_128] : memref<8x128x64xf32, #tpu.memory_space<vmem>> -> memref<1x128x64xf32, #tpu.memory_space<vmem>>
    %dma_wait3A_130 = tpu.memref_squeeze %dma_wait3A_129 : memref<1x128x64xf32, #tpu.memory_space<vmem>> -> memref<128x64xf32, #tpu.memory_space<vmem>>
    %dma_wait3A_131 = arith.constant 0 : i32
    %dma_wait3A_132 = arith.constant 0 : i32
    %dma_wait3A_133 = tpu.memref_slice %arg4[%dma_wait3A_126, %dma_wait3A_131, %dma_wait3A_132] : memref<6400x128x64xf32, #tpu.memory_space<hbm>> -> memref<1x128x64xf32, #tpu.memory_space<hbm>>
    %dma_wait3A_134 = tpu.memref_squeeze %dma_wait3A_133 : memref<1x128x64xf32, #tpu.memory_space<hbm>> -> memref<128x64xf32, #tpu.memory_space<hbm>>
    %dma_wait3A_135 = arith.constant 0 : i32
    %dma_wait3A_136 = arith.constant 0 : i32
    %dma_wait3A_137 = tpu.memref_slice %arg4[%dma_wait3A_126, %dma_wait3A_135, %dma_wait3A_136] : memref<6400x128x64xf32, #tpu.memory_space<hbm>> -> memref<1x128x64xf32, #tpu.memory_space<hbm>>
    %dma_wait3A_138 = tpu.memref_squeeze %dma_wait3A_137 : memref<1x128x64xf32, #tpu.memory_space<hbm>> -> memref<128x64xf32, #tpu.memory_space<hbm>>
    %dma_wait3A_139 = arith.constant 0 : i32
    %dma_wait3A_140 = arith.constant 0 : i32
    %dma_wait3A_141 = tpu.memref_slice %arg6[%dma_wait3A_125, %dma_wait3A_139, %dma_wait3A_140] : memref<8x128x64xf32, #tpu.memory_space<vmem>> -> memref<1x128x64xf32, #tpu.memory_space<vmem>>
    %dma_wait3A_142 = tpu.memref_squeeze %dma_wait3A_141 : memref<1x128x64xf32, #tpu.memory_space<vmem>> -> memref<128x64xf32, #tpu.memory_space<vmem>>
    tpu.wait_dma2 semaphore(%arg8 : memref<!tpu.dma_semaphore, #tpu.memory_space<semaphore_mem>>) src(%dma_wait3A_142 : memref<128x64xf32, #tpu.memory_space<vmem>>) dst(%dma_wait3A_138 : memref<128x64xf32, #tpu.memory_space<hbm>>)
    %dma_wait3A_143 = arith.constant 0 : i32
    %dma_wait3A_144 = arith.constant 0 : i32
    %dma_wait3A_145 = arith.constant 0 : i32
    %dma_wait3A_146 = arith.constant 0 : i32
    %dma_wait3A_147 = tpu.memref_slice %arg6[%dma_wait3A_143, %dma_wait3A_145, %dma_wait3A_146] : memref<8x128x64xf32, #tpu.memory_space<vmem>> -> memref<1x128x64xf32, #tpu.memory_space<vmem>>
    %dma_wait3A_148 = tpu.memref_squeeze %dma_wait3A_147 : memref<1x128x64xf32, #tpu.memory_space<vmem>> -> memref<128x64xf32, #tpu.memory_space<vmem>>
    %dma_wait3A_149 = arith.constant 0 : i32
    %dma_wait3A_150 = arith.constant 0 : i32
    %dma_wait3A_151 = tpu.memref_slice %arg4[%dma_wait3A_144, %dma_wait3A_149, %dma_wait3A_150] : memref<6400x128x64xf32, #tpu.memory_space<hbm>> -> memref<1x128x64xf32, #tpu.memory_space<hbm>>
    %dma_wait3A_152 = tpu.memref_squeeze %dma_wait3A_151 : memref<1x128x64xf32, #tpu.memory_space<hbm>> -> memref<128x64xf32, #tpu.memory_space<hbm>>
    %dma_wait3A_153 = arith.constant 0 : i32
    %dma_wait3A_154 = arith.constant 0 : i32
    %dma_wait3A_155 = tpu.memref_slice %arg4[%dma_wait3A_144, %dma_wait3A_153, %dma_wait3A_154] : memref<6400x128x64xf32, #tpu.memory_space<hbm>> -> memref<1x128x64xf32, #tpu.memory_space<hbm>>
    %dma_wait3A_156 = tpu.memref_squeeze %dma_wait3A_155 : memref<1x128x64xf32, #tpu.memory_space<hbm>> -> memref<128x64xf32, #tpu.memory_space<hbm>>
    %dma_wait3A_157 = arith.constant 0 : i32
    %dma_wait3A_158 = arith.constant 0 : i32
    %dma_wait3A_159 = tpu.memref_slice %arg6[%dma_wait3A_143, %dma_wait3A_157, %dma_wait3A_158] : memref<8x128x64xf32, #tpu.memory_space<vmem>> -> memref<1x128x64xf32, #tpu.memory_space<vmem>>
    %dma_wait3A_160 = tpu.memref_squeeze %dma_wait3A_159 : memref<1x128x64xf32, #tpu.memory_space<vmem>> -> memref<128x64xf32, #tpu.memory_space<vmem>>
    tpu.wait_dma2 semaphore(%arg8 : memref<!tpu.dma_semaphore, #tpu.memory_space<semaphore_mem>>) src(%dma_wait3A_160 : memref<128x64xf32, #tpu.memory_space<vmem>>) dst(%dma_wait3A_156 : memref<128x64xf32, #tpu.memory_space<hbm>>)
    %dma_wait3A_161 = arith.constant 0 : i32
    %dma_wait3A_162 = arith.constant 0 : i32
    %dma_wait3A_163 = arith.constant 0 : i32
    %dma_wait3A_164 = arith.constant 0 : i32
    %dma_wait3A_165 = tpu.memref_slice %arg6[%dma_wait3A_161, %dma_wait3A_163, %dma_wait3A_164] : memref<8x128x64xf32, #tpu.memory_space<vmem>> -> memref<1x128x64xf32, #tpu.memory_space<vmem>>
    %dma_wait3A_166 = tpu.memref_squeeze %dma_wait3A_165 : memref<1x128x64xf32, #tpu.memory_space<vmem>> -> memref<128x64xf32, #tpu.memory_space<vmem>>
    %dma_wait3A_167 = arith.constant 0 : i32
    %dma_wait3A_168 = arith.constant 0 : i32
    %dma_wait3A_169 = tpu.memref_slice %arg4[%dma_wait3A_162, %dma_wait3A_167, %dma_wait3A_168] : memref<6400x128x64xf32, #tpu.memory_space<hbm>> -> memref<1x128x64xf32, #tpu.memory_space<hbm>>
    %dma_wait3A_170 = tpu.memref_squeeze %dma_wait3A_169 : memref<1x128x64xf32, #tpu.memory_space<hbm>> -> memref<128x64xf32, #tpu.memory_space<hbm>>
    %dma_wait3A_171 = arith.constant 0 : i32
    %dma_wait3A_172 = arith.constant 0 : i32
    %dma_wait3A_173 = tpu.memref_slice %arg4[%dma_wait3A_162, %dma_wait3A_171, %dma_wait3A_172] : memref<6400x128x64xf32, #tpu.memory_space<hbm>> -> memref<1x128x64xf32, #tpu.memory_space<hbm>>
    %dma_wait3A_174 = tpu.memref_squeeze %dma_wait3A_173 : memref<1x128x64xf32, #tpu.memory_space<hbm>> -> memref<128x64xf32, #tpu.memory_space<hbm>>
    %dma_wait3A_175 = arith.constant 0 : i32
    %dma_wait3A_176 = arith.constant 0 : i32
    %dma_wait3A_177 = tpu.memref_slice %arg6[%dma_wait3A_161, %dma_wait3A_175, %dma_wait3A_176] : memref<8x128x64xf32, #tpu.memory_space<vmem>> -> memref<1x128x64xf32, #tpu.memory_space<vmem>>
    %dma_wait3A_178 = tpu.memref_squeeze %dma_wait3A_177 : memref<1x128x64xf32, #tpu.memory_space<vmem>> -> memref<128x64xf32, #tpu.memory_space<vmem>>
    tpu.wait_dma2 semaphore(%arg8 : memref<!tpu.dma_semaphore, #tpu.memory_space<semaphore_mem>>) src(%dma_wait3A_178 : memref<128x64xf32, #tpu.memory_space<vmem>>) dst(%dma_wait3A_174 : memref<128x64xf32, #tpu.memory_space<hbm>>)
    %dma_wait3A_179 = arith.constant 0 : i32
    %dma_wait3A_180 = arith.constant 0 : i32
    %dma_wait3A_181 = arith.constant 0 : i32
    %dma_wait3A_182 = arith.constant 0 : i32
    %dma_wait3A_183 = tpu.memref_slice %arg6[%dma_wait3A_179, %dma_wait3A_181, %dma_wait3A_182] : memref<8x128x64xf32, #tpu.memory_space<vmem>> -> memref<1x128x64xf32, #tpu.memory_space<vmem>>
    %dma_wait3A_184 = tpu.memref_squeeze %dma_wait3A_183 : memref<1x128x64xf32, #tpu.memory_space<vmem>> -> memref<128x64xf32, #tpu.memory_space<vmem>>
    %dma_wait3A_185 = arith.constant 0 : i32
    %dma_wait3A_186 = arith.constant 0 : i32
    %dma_wait3A_187 = tpu.memref_slice %arg4[%dma_wait3A_180, %dma_wait3A_185, %dma_wait3A_186] : memref<6400x128x64xf32, #tpu.memory_space<hbm>> -> memref<1x128x64xf32, #tpu.memory_space<hbm>>
    %dma_wait3A_188 = tpu.memref_squeeze %dma_wait3A_187 : memref<1x128x64xf32, #tpu.memory_space<hbm>> -> memref<128x64xf32, #tpu.memory_space<hbm>>
    %dma_wait3A_189 = arith.constant 0 : i32
    %dma_wait3A_190 = arith.constant 0 : i32
    %dma_wait3A_191 = tpu.memref_slice %arg4[%dma_wait3A_180, %dma_wait3A_189, %dma_wait3A_190] : memref<6400x128x64xf32, #tpu.memory_space<hbm>> -> memref<1x128x64xf32, #tpu.memory_space<hbm>>
    %dma_wait3A_192 = tpu.memref_squeeze %dma_wait3A_191 : memref<1x128x64xf32, #tpu.memory_space<hbm>> -> memref<128x64xf32, #tpu.memory_space<hbm>>
    %dma_wait3A_193 = arith.constant 0 : i32
    %dma_wait3A_194 = arith.constant 0 : i32
    %dma_wait3A_195 = tpu.memref_slice %arg6[%dma_wait3A_179, %dma_wait3A_193, %dma_wait3A_194] : memref<8x128x64xf32, #tpu.memory_space<vmem>> -> memref<1x128x64xf32, #tpu.memory_space<vmem>>
    %dma_wait3A_196 = tpu.memref_squeeze %dma_wait3A_195 : memref<1x128x64xf32, #tpu.memory_space<vmem>> -> memref<128x64xf32, #tpu.memory_space<vmem>>
    tpu.wait_dma2 semaphore(%arg8 : memref<!tpu.dma_semaphore, #tpu.memory_space<semaphore_mem>>) src(%dma_wait3A_196 : memref<128x64xf32, #tpu.memory_space<vmem>>) dst(%dma_wait3A_192 : memref<128x64xf32, #tpu.memory_space<hbm>>)
    %dma_wait3A_197 = arith.constant 0 : i32
    %dma_wait3A_198 = arith.constant 0 : i32
    %dma_wait3A_199 = arith.constant 0 : i32
    %dma_wait3A_200 = arith.constant 0 : i32
    %dma_wait3A_201 = tpu.memref_slice %arg6[%dma_wait3A_197, %dma_wait3A_199, %dma_wait3A_200] : memref<8x128x64xf32, #tpu.memory_space<vmem>> -> memref<1x128x64xf32, #tpu.memory_space<vmem>>
    %dma_wait3A_202 = tpu.memref_squeeze %dma_wait3A_201 : memref<1x128x64xf32, #tpu.memory_space<vmem>> -> memref<128x64xf32, #tpu.memory_space<vmem>>
    %dma_wait3A_203 = arith.constant 0 : i32
    %dma_wait3A_204 = arith.constant 0 : i32
    %dma_wait3A_205 = tpu.memref_slice %arg4[%dma_wait3A_198, %dma_wait3A_203, %dma_wait3A_204] : memref<6400x128x64xf32, #tpu.memory_space<hbm>> -> memref<1x128x64xf32, #tpu.memory_space<hbm>>
    %dma_wait3A_206 = tpu.memref_squeeze %dma_wait3A_205 : memref<1x128x64xf32, #tpu.memory_space<hbm>> -> memref<128x64xf32, #tpu.memory_space<hbm>>
    %dma_wait3A_207 = arith.constant 0 : i32
    %dma_wait3A_208 = arith.constant 0 : i32
    %dma_wait3A_209 = tpu.memref_slice %arg4[%dma_wait3A_198, %dma_wait3A_207, %dma_wait3A_208] : memref<6400x128x64xf32, #tpu.memory_space<hbm>> -> memref<1x128x64xf32, #tpu.memory_space<hbm>>
    %dma_wait3A_210 = tpu.memref_squeeze %dma_wait3A_209 : memref<1x128x64xf32, #tpu.memory_space<hbm>> -> memref<128x64xf32, #tpu.memory_space<hbm>>
    %dma_wait3A_211 = arith.constant 0 : i32
    %dma_wait3A_212 = arith.constant 0 : i32
    %dma_wait3A_213 = tpu.memref_slice %arg6[%dma_wait3A_197, %dma_wait3A_211, %dma_wait3A_212] : memref<8x128x64xf32, #tpu.memory_space<vmem>> -> memref<1x128x64xf32, #tpu.memory_space<vmem>>
    %dma_wait3A_214 = tpu.memref_squeeze %dma_wait3A_213 : memref<1x128x64xf32, #tpu.memory_space<vmem>> -> memref<128x64xf32, #tpu.memory_space<vmem>>
    tpu.wait_dma2 semaphore(%arg8 : memref<!tpu.dma_semaphore, #tpu.memory_space<semaphore_mem>>) src(%dma_wait3A_214 : memref<128x64xf32, #tpu.memory_space<vmem>>) dst(%dma_wait3A_210 : memref<128x64xf32, #tpu.memory_space<hbm>>)
    %dma_wait3A_215 = arith.constant 0 : i32
    %dma_wait3A_216 = arith.constant 0 : i32
    %dma_wait3A_217 = arith.constant 0 : i32
    %dma_wait3A_218 = arith.constant 0 : i32
    %dma_wait3A_219 = tpu.memref_slice %arg6[%dma_wait3A_215, %dma_wait3A_217, %dma_wait3A_218] : memref<8x128x64xf32, #tpu.memory_space<vmem>> -> memref<1x128x64xf32, #tpu.memory_space<vmem>>
    %dma_wait3A_220 = tpu.memref_squeeze %dma_wait3A_219 : memref<1x128x64xf32, #tpu.memory_space<vmem>> -> memref<128x64xf32, #tpu.memory_space<vmem>>
    %dma_wait3A_221 = arith.constant 0 : i32
    %dma_wait3A_222 = arith.constant 0 : i32
    %dma_wait3A_223 = tpu.memref_slice %arg4[%dma_wait3A_216, %dma_wait3A_221, %dma_wait3A_222] : memref<6400x128x64xf32, #tpu.memory_space<hbm>> -> memref<1x128x64xf32, #tpu.memory_space<hbm>>
    %dma_wait3A_224 = tpu.memref_squeeze %dma_wait3A_223 : memref<1x128x64xf32, #tpu.memory_space<hbm>> -> memref<128x64xf32, #tpu.memory_space<hbm>>
    %dma_wait3A_225 = arith.constant 0 : i32
    %dma_wait3A_226 = arith.constant 0 : i32
    %dma_wait3A_227 = tpu.memref_slice %arg4[%dma_wait3A_216, %dma_wait3A_225, %dma_wait3A_226] : memref<6400x128x64xf32, #tpu.memory_space<hbm>> -> memref<1x128x64xf32, #tpu.memory_space<hbm>>
    %dma_wait3A_228 = tpu.memref_squeeze %dma_wait3A_227 : memref<1x128x64xf32, #tpu.memory_space<hbm>> -> memref<128x64xf32, #tpu.memory_space<hbm>>
    %dma_wait3A_229 = arith.constant 0 : i32
    %dma_wait3A_230 = arith.constant 0 : i32
    %dma_wait3A_231 = tpu.memref_slice %arg6[%dma_wait3A_215, %dma_wait3A_229, %dma_wait3A_230] : memref<8x128x64xf32, #tpu.memory_space<vmem>> -> memref<1x128x64xf32, #tpu.memory_space<vmem>>
    %dma_wait3A_232 = tpu.memref_squeeze %dma_wait3A_231 : memref<1x128x64xf32, #tpu.memory_space<vmem>> -> memref<128x64xf32, #tpu.memory_space<vmem>>
    tpu.wait_dma2 semaphore(%arg8 : memref<!tpu.dma_semaphore, #tpu.memory_space<semaphore_mem>>) src(%dma_wait3A_232 : memref<128x64xf32, #tpu.memory_space<vmem>>) dst(%dma_wait3A_228 : memref<128x64xf32, #tpu.memory_space<hbm>>)
    return
  }
}

</mosaic_0001>

<sc_bundles>
// kernel: kernel.3.cloned.1.call-start
scs
__scs_entry_jumppad:
0x0: {  	(pc) =	sbr.rel $0x88, $3  }
0x1: {  	(tag) =	ssettag $0x0;
	lr =	simm.s32 $0x1  }
0x2: {  	[smem:$0x3F9F] =	sst lr;
	_ =	strace $0xD0000000  }
0x3: {  	_ = 	snop  }
0x4: {  	_ = 	snop  }
0x5: {  	_ = 	snop  }
0x6: {  	_ = 	snop  }
0x7: {  	_ = 	snop  }
__scs_overlays_trampoline_lowered:
0x8: {  	[smem:$0x3FAE] =	sst s0  }
0x9: {  	[smem:$0x3FAF] =	sst s1  }
0xa: {  	[smem:$0x3FB0] =	sst s2  }
0xb: {  	[smem:$0x3FB1] =	sst s3  }
0xc: {  	[smem:$0x3FB2] =	sst s4  }
0xd: {  	[smem:$0x3FB3] =	sst s5  }
0xe: {  	[smem:$0x3FB4] =	sst s6  }
0xf: {  	[smem:$0x3FB5] =	sst s7  }
0x10: {  	[smem:$0x3FB6] =	sst s8  }
0x11: {  	[smem:$0x3FB7] =	sst s9;
	s0 =	simm.s32 @!p0 $0x0  }
0x12: {  	s1 =	sld [smem:$0x3F9D];
	s0 =	simm.s32 @p0 $0x1  }
0x13: {  	[smem:$0x3FB8] =	sst s0;
	s0 =	simm.s32 @!p1 $0x0  }
0x14: {  	s2 =	sld [smem:$0x3F9C];
	s0 =	simm.s32 @p1 $0x1  }
0x15: {  	[smem:$0x3FB9] =	sst s0;
	s0 =	simm.s32 @!p2 $0x0  }
0x16: {  	s3 =	sld [smem:$0x3FDB];
	s0 =	simm.s32 @p2 $0x1  }
0x17: {  	s4 =	simm.s32 $0x1BF5;
	[smem:$0x3FBB] =	sst s0  }
0x18: {  	s0 =	sld [smem:$0x3F9E];
	_ =	swait.ge [sflag:s4], $0x0  }
0x19: {  	s7 =	sld [smem:$0x3F9F]  }
0x1a: {  	s8 =	sadd.s32 $0xFFFFE003, lr  }
0x1b: {  	s9 =	sadd.s32 $0xFFFFFEF7, lr;
	s5 =	simm.s32 $0xFFFFFFFF;
	p2 =	slt.u32 s8, $0xFFFFF086  }
0x1c: {  	p1 =	slt.u32 s9, $0xF7A;
	s5 =	simm.s32 @!p2 $0x0  }
0x1d: {  	s5 =	simm.s32 @p1 $0x1;
	p0 =	seq.s32 s7, s2  }
0x1e: {  	s7 =	smul.u32 @!p0 $0xF7A, s2;
	p2 =	seq.s32 @!p0 s5, $0x0  }
0x1f: {  	s9 =	smul.u32 $0xF7A, s1;
	s8 =	simm.s32 @!p0 $0x1BF5;
	p2 =	por !p2, p0  }
0x20: {  	[sflag:s8] =	ssyncset.s32 @!p0 $0xFFFFF086;
	s6 =	sadd.s32 @!p0 s3, s7;
	s7 =	simm.s32 @!p0 $0x108  }
0x21: {  	s3 =	sadd.s32 s3, s9;
	s6 =	sadd.s32 @!p0 $0x88, s6;
	s7 =	simm.s32 @p2 $0x1082  }
0x22: {  	[simem:s7], [sflag:s8] =	dma.local @!p0 [hbm:s6], $0xF7A  }
0x23: {  	s9 =	sor.u32 $0xD0000000, s2;
	s6 =	simm.s32 $0x108;
	_ =	swait.ge @!p0 [sflag:s8], $0x0  }
0x24: {  	s3 =	sadd.s32 $0x88, s3;
	s6 =	simm.s32 @!p1 $0x1082;
	[sflag:s4] =	ssyncset.s32 $0xFFFFF086  }
0x25: {  	[simem:s6], [sflag:s4] =	dma.local [hbm:s3], $0xF7A  }
0x26: {  	[smem:$0x3F9F] =	sst s1;
	(tag) =	ssettag s2;
	_ =	strace s9  }
0x27: {  	s1 =	sld [smem:$0x3FAF]  }
0x28: {  	s2 =	sld [smem:$0x3FB0]  }
0x29: {  	s4 =	sld [smem:$0x3FB2]  }
0x2a: {  	p0 =	seq.s32 s5, $0x0;
	s5 =	sld [smem:$0x3FB3]  }
0x2b: {  	s6 =	sld [smem:$0x3FB4]  }
0x2c: {  	s7 =	sld [smem:$0x3FB5]  }
0x2d: {  	s3 =	simm.s32 $0x108;
	s8 =	sld [smem:$0x3FB6]  }
0x2e: {  	s3 =	simm.s32 @!p0 $0x1082;
	s9 =	sld [smem:$0x3FB7]  }
0x2f: {  	lr =	sadd.s32 s0, s3;
	s0 =	sld [smem:$0x3FAE]  }
0x30: {  	s3 =	sld [smem:$0x3FB1]  }
0x31: {  	[smem:$0x3FBA] =	sst s10  }
0x32: {  	s10 =	sld [smem:$0x3FB8];
	_ =	sdelay $0x3  }
0x33: {  	p0 =	seq.s32 s10, $0x1;
	s10 =	sld [smem:$0x3FBA];
	_ =	sdelay $0x3  }
0x34: {  	[smem:$0x3FBA] =	sst s10  }
0x35: {  	s10 =	sld [smem:$0x3FB9];
	_ =	sdelay $0x3  }
0x36: {  	p1 =	seq.s32 s10, $0x1;
	s10 =	sld [smem:$0x3FBA];
	_ =	sdelay $0x3  }
0x37: {  	[smem:$0x3FBA] =	sst s10  }
0x38: {  	s10 =	sld [smem:$0x3FBB]  }
0x39: {  	_ = 	snop;
	(pc) =	sbr.ind lr, $3  }
0x3a: {  	_ = 	snop  }
0x3b: {  	_ = 	snop  }
0x3c: {  	p2 =	seq.s32 s10, $0x1;
	s10 =	sld [smem:$0x3FBA]  }
0x3d: {  	_ =	shalt  }
0x3e: {  	_ =	shalt  }
0x3f: {  	_ =	shalt  }
0x40: {  	_ =	shalt  }
0x41: {  	_ =	shalt  }
0x42: {  	_ =	shalt  }
0x43: {  	_ =	shalt  }
0x44: {  	_ =	shalt  }
0x45: {  	_ =	shalt  }
0x46: {  	_ =	shalt  }
0x47: {  	_ =	shalt  }
0x48: {  	_ =	shalt  }
0x49: {  	_ =	shalt  }
0x4a: {  	_ =	shalt  }
0x4b: {  	_ =	shalt  }
0x4c: {  	_ =	shalt  }
0x4d: {  	_ =	shalt  }
0x4e: {  	_ =	shalt  }
0x4f: {  	_ =	shalt  }
0x50: {  	_ =	shalt  }
0x51: {  	_ =	shalt  }
0x52: {  	_ =	shalt  }
0x53: {  	_ =	shalt  }
0x54: {  	_ =	shalt  }
0x55: {  	_ =	shalt  }
0x56: {  	_ =	shalt  }
0x57: {  	_ =	shalt  }
0x58: {  	_ =	shalt  }
0x59: {  	_ =	shalt  }
0x5a: {  	_ =	shalt  }
0x5b: {  	_ =	shalt  }
0x5c: {  	_ =	shalt  }
0x5d: {  	_ =	shalt  }
0x5e: {  	_ =	shalt  }
0x5f: {  	_ =	shalt  }
0x60: {  	_ =	shalt  }
0x61: {  	_ =	shalt  }
0x62: {  	_ =	shalt  }
0x63: {  	_ =	shalt  }
0x64: {  	_ =	shalt  }
0x65: {  	_ =	shalt  }
0x66: {  	_ =	shalt  }
0x67: {  	_ =	shalt  }
0x68: {  	_ =	shalt  }
0x69: {  	_ =	shalt  }
0x6a: {  	_ =	shalt  }
0x6b: {  	_ =	shalt  }
0x6c: {  	_ =	shalt  }
0x6d: {  	_ =	shalt  }
0x6e: {  	_ =	shalt  }
0x6f: {  	_ =	shalt  }
0x70: {  	_ =	shalt  }
0x71: {  	_ =	shalt  }
0x72: {  	_ =	shalt  }
0x73: {  	_ =	shalt  }
0x74: {  	_ =	shalt  }
0x75: {  	_ =	shalt  }
0x76: {  	_ =	shalt  }
0x77: {  	_ =	shalt  }
0x78: {  	_ =	shalt  }
0x79: {  	_ =	shalt  }
0x7a: {  	_ =	shalt  }
0x7b: {  	_ =	shalt  }
0x7c: {  	_ =	shalt  }
0x7d: {  	_ =	shalt  }
0x7e: {  	_ =	shalt  }
0x7f: {  	_ =	shalt  }
0x80: {  	_ =	shalt  }
0x81: {  	_ =	shalt  }
0x82: {  	_ =	shalt  }
0x83: {  	_ =	shalt  }
0x84: {  	_ =	shalt  }
0x85: {  	_ =	shalt  }
0x86: {  	_ =	shalt  }
0x87: {  	_ =	shalt  }
.Lfunc_end0:
.L_simem_size_0:
called_computation.1_lowered:
.L_overlay_start_0:
0x88: {  	s2 =	sld [smem:$0x3FD9]  }
0x89: {  	s3 =	sld [smem:$0x3FFE];
	_ =	sdelay $0x1  }
0x8a: {  	s1 =	srdreg.scid  }
0x8b: {  	s0 =	sand.u32 $0x1, s1  }
0x8c: {  	s17 =	sshll.u32 s0, $0xA;
	s2 =	sadd.s32 s3, s2  }
0x8d: {  	s2 =	sadd.s32 s2, s17  }
0x8e: {  	[smem:$0x3FC6] =	sst s2  }
0x8f: {  	_ = 	snop  }
0x90: {  	s2 =	sld [smem:$0x3FD0];
	(tm) =	ssettm $0x1  }
0x91: {  	s18 =	sld [smem:$0x3FFB];
	_ =	sdelay $0x3  }
0x92: {  	_ =	strace s18  }
0x93: {  	s3 =	sld [smem:$0x3FFC];
	_ =	sdelay $0x3  }
0x94: {  	_ =	strace s3  }
0x95: {  	s3 =	sld [smem:$0x3FFD];
	_ =	sdelay $0x3  }
0x96: {  	_ =	strace s3  }
0x97: {  	_ =	strace $0x8FFFFFFF  }
0x98: {  	s19 =	sld [smem:$0x3FDB];
	_ =	sdelay $0x1  }
0x99: {  	s4 =	simm.s32 $_scs_section_size  }
0x9a: {  	s5 =	simm.s32 $_size__tile_overlayer_lowered;
	s6 =	simm.s32 $_tile_overlayer_lowered  }
0x9b: {  	s22 =	simm.s32 $0x1BFF;
	s21 =	sshll.u32 s6, $0x1;
	s3 =	sadd.s32 s4, s19  }
0x9c: {  	s7 =	simm.s32 $0x0;
	s20 =	sshll.u32 s5, $0x1;
	s5 =	sadd.s32 s21, s3  }
0x9d: {  	[timem:s7], [sflag:s22] =	dma.local [hbm:s5], s20  }
0x9e: {  	_ =	swait.ge [sflag:s22], s20  }
0x9f: {  	s4 =	ssub.s32 $0x0, s20;
	[sflag:s22] =	ssyncset.done $0x0  }
0xa0: {  	[sflag:s22] =	ssyncadd.s32 s4;
	_ =	sdelay $0x1  }
0xa1: {  	s23 =	simm.s32 $0x1B8B  }
0xa2: {  	_ =	swait.ge [sflag:s23], $0x1  }
0xa3: {  	[sflag:s23] =	ssyncset.done $0x0  }
0xa4: {  	s25 =	simm.s32 $0x1B8E;
	s24 =	sld [smem:$0x3FFE];
	[sflag:s23] =	ssyncadd.s32 $0xFFFFFFFF  }
0xa5: {  	s26 =	simm.s32 $execute0_lowered;
	[smem:$0x3FD2] =	sst s25  }
0xa6: {  	s5 =	sshll.u32 s26, $0x1;
	_ =	strace $0x80000046;
	[dreg:$0x1] =	wrdreg $0xFFFFFFFF  }
0xa7: {  	s28 =	simm.s32 $_size_execute0_lowered;
	s3 =	sadd.s32 s3, s5;
	[dreg:$0x0] =	wrdreg $0x0  }
0xa8: {  	s5 =	sshll.u32 s28, $0x1;
	[dreg:$0x2] =	wrdreg s3  }
0xa9: {  	[dreg:$0x3] =	wrdreg s5  }
0xaa: {  	[dreg:$0x4] =	wrdreg $0xC0  }
0xab: {  	_ =	task [dreg:s7], $0x5FFFF  }
0xac: {  	[dreg:$0x1] =	wrdreg $0xFFFFFFFF  }
0xad: {  	[dreg:$0x0] =	wrdreg $0x60  }
0xae: {  	[dreg:$0x2] =	wrdreg s24  }
0xaf: {  	[dreg:$0x3] =	wrdreg s2  }
0xb0: {  	[dreg:$0x4] =	wrdreg $0x9  }
0xb1: {  	_ =	task.clear_ibuf [dreg:s7], $0x5FFFF;
	_ =	strace $0x90000046  }
0xb2: {  	s29 =	simm.s32 $0x9;
	_ =	strace $0x80000048  }
0xb3: {  	_ =	swait.ge [sflag:s29], $0x1  }
0xb4: {  	[sflag:s29] =	ssyncadd.s32 $0xFFFFFFFF  }
0xb5: {  	_ =	strace $0x90000048  }
0xb6: {  	_ =	sfence  }
0xb7: {  	s30 =	sld [smem:$0x0];
	_ =	sdelay $0x2  }
0xb8: {  	s31 =	sshll.u32 s1, $0xD;
	s1 =	sshrl.u32 s1, $0x2  }
0xb9: {  	s3 =	sand.u32 $0x4000, s31;
	s1 =	sadd.s32 s1, s30  }
0xba: {  	s0 =	sor.u32 s3, s0;
	s1 =	sshll.u32 s1, $0x11  }
0xbb: {  	s0 =	sor.u32 s1, s0  }
0xbc: {  	s0 =	sadd.s32 $0x8F2B, s0  }
0xbd: {  	[sflag:s0] =	ssyncadd.remote.s32 $0x1  }
0xbe: {  	_ =	sfence.sel $0xFFFF  }
0xbf: {  	[dreg:$0x0] =	wrdreg $0xFFFFFFFF;
	(pc) =	sbr.abs _section_cstart, $3  }
0xc0: {  	[dreg:$0x1] =	wrdreg $0xFFFFFFFF  }
0xc1: {  	_ =	task.clear_ibuf [dreg:s7], $0x2FFFF;
	_ =	strace $0x9FFFFFFF  }
0xc2: {  	(tm) =	ssettm $0x7FFFFFFF  }
0xc3: {  	_ =	shalt  }
tec
execute0_lowered:
.L_overlay_start_1:
0x0: {  	(tag) =	ssettag $0x1  }
0x1: {  	s0 =	rddreg [dreg:$0x0]  }
0x2: {  	s1 =	srdreg.scid;
	s8 =	stileid.u32  }
0x3: {  	s6 =	rddreg [dreg:$0x1];
	s2 =	simm.s32 $0x0;
	s9 =	simm.s32 $0x80  }
0x4: {  	s10 =	simm.s32 $0x6400;
	s13 =	simm.s32 $0xA400;
	s14 =	simm.s32 $0x180  }
0x5: {  	s15 =	simm.s32 $0xC400;
	s16 =	simm.s32 $0x200;
	s17 =	simm.s32 $0xE400  }
0x6: {  	s18 =	simm.s32 $0x280;
	s19 =	simm.s32 $0x10400;
	s20 =	simm.s32 $0x300  }
0x7: {  	s21 =	simm.s32 $0x12400;
	s22 =	simm.s32 $0x380;
	s23 =	simm.s32 $0x14400  }
0x8: {  	s24 =	simm.s32 $0x1;
	s25 =	simm.s32 $0x2;
	s1 =	sand.u32 $0x1, s1  }
0x9: {  	s3 =	sshll.u32 s8, $0x1;
	[smem:$0x7FF] =	sst s2;
	s8 =	smul.u32 $0x64000, s8  }
0xa: {  	s4 =	sor.u32 s1, s3;
	s7 =	ssub.s32 $0x2, s1;
	s1 =	smul.u32 $0x32000, s1  }
0xb: {  	s26 =	simm.s32 $0x0;
	_ =	strace $0x80000047;
	s3 =	smul.u32 $0xC80, s4  }
0xc: {  	s29 =	sshrl.u32 s7, $0x1;
	s30 =	smul.u32 $0x32000, s4;
	s8 =	sadd.s32 s8, s6  }
0xd: {  	s31 =	sadd.s32 s1, s8;
	s8 =	simm.s32 $0x3;
	s5 =	sadd.s32 s3, s0  }
0xe: {  	s3 =	sadd.s32 $0xF42E00, s0;
	s0 =	ssub.s32 s7, s29;
	s6 =	sadd.s32 s6, s30  }
0xf: {  	s7 =	sadd.s32 $0x400, s31;
	s4 =	sadd.s32 $0xA00, s5;
	s5 =	smax.u32 s0, $0x1  }
.LBB2_1:
0x10: {  	[tilespmem:s2], [sflag:$0x3] =	stream.linear.gather [hbm4b:s4+s2], $0x6400, $0x38;
	[tilespmem:$0x16400] =	vst v63  }
0x11: {  	_ =	swait.ge [sflag:s8], $0x6400  }
0x12: {  	[sflag:s8] =	ssyncset.done $0x0  }
0x13: {  	[sflag:s8] =	ssyncadd.s32 $0xFFFF9C00  }
0x14: {  	[tilespmem:s10], [sflag:$0x1] =	stream.indirect.gather [hbm4b:s3+s9], $0x40, s2, s9, $0xb8;
	[tilespmem:$0x16400] =	vst v63  }
0x15: {  	s0 =	simm.s32 $0x8400  }
0x16: {  	[tilespmem:s0], [sflag:$0x1] =	stream.indirect.gather [hbm4b:s3+s9], $0x40, s9, s9, $0xb8;
	[tilespmem:$0x16400] =	vst v63  }
0x17: {  	s11 =	simm.s32 $0x100  }
0x18: {  	[tilespmem:s13], [sflag:$0x1] =	stream.indirect.gather [hbm4b:s3+s9], $0x40, s11, s9, $0xb8;
	[tilespmem:$0x16400] =	vst v63  }
0x19: {  	_ = 	snop  }
0x1a: {  	[tilespmem:s15], [sflag:$0x1] =	stream.indirect.gather [hbm4b:s3+s9], $0x40, s14, s9, $0xb8;
	[tilespmem:$0x16400] =	vst v63  }
0x1b: {  	_ = 	snop  }
0x1c: {  	[tilespmem:s17], [sflag:$0x1] =	stream.indirect.gather [hbm4b:s3+s9], $0x40, s16, s9, $0xb8;
	[tilespmem:$0x16400] =	vst v63  }
0x1d: {  	_ = 	snop  }
0x1e: {  	[tilespmem:s19], [sflag:$0x1] =	stream.indirect.gather [hbm4b:s3+s9], $0x40, s18, s9, $0xb8;
	[tilespmem:$0x16400] =	vst v63  }
0x1f: {  	_ = 	snop  }
0x20: {  	[tilespmem:s21], [sflag:$0x1] =	stream.indirect.gather [hbm4b:s3+s9], $0x40, s20, s9, $0xb8;
	[tilespmem:$0x16400] =	vst v63  }
0x21: {  	_ =	swait.ge [sflag:s24], $0x2000  }
0x22: {  	[sflag:s24] =	ssyncset.done $0x0  }
0x23: {  	[sflag:s24] =	ssyncadd.s32 $0xFFFFE000  }
0x24: {  	[hbm4b:s6+s2] =	stream.linear.scatter [tilespmem:s10], [sflag:$0x2], $0x2000, $0x38;
	[tilespmem:$0x16400] =	vst v63  }
0x25: {  	_ = 	snop  }
0x26: {  	[tilespmem:s23], [sflag:$0x1] =	stream.indirect.gather [hbm4b:s3+s9], $0x40, s22, s9, $0xb8;
	[tilespmem:$0x16400] =	vst v63  }
0x27: {  	s28 =	simm.s32 $0x10000;
	s12 =	simm.s32 $0x2000;
	_ =	swait.ge [sflag:s24], $0x2000  }
0x28: {  	s29 =	simm.s32 $0x400;
	s0 =	sand.u32 $0xE000, s12;
	[sflag:s24] =	ssyncset.done $0x0  }
0x29: {  	p0 =	por $0x0, $0x0;
	s0 =	sadd.s32 $0x6400, s0;
	[sflag:s24] =	ssyncadd.s32 $0xFFFFE000  }
0x2a: {  	[hbm4b:s7+s2] =	stream.linear.scatter [tilespmem:s0], [sflag:$0x2], $0x2000, $0x38;
	[tilespmem:$0x16400] =	vst v63  }
0x2b: {  	s30 =	simm.s32 $0x2;
	s31 =	sadd.s32 $0x400, s7;
	s0 =	simm.s32 @!p0 $0x2  }
0x2c: {  	s1 =	sand.u32 @!p0 $0xE000, s28;
	s12 =	simm.s32 @!p0 $0x80;
	_ =	swait.ge @!p0 [sflag:s0], $0x2000  }
0x2d: {  	s11 =	sadd.s32 @!p0 $0x6400, s1;
	s1 =	simm.s32 $0x480;
	[sflag:s0] =	ssyncset.done @!p0 $0x0  }
.LBB2_2:
0x2e: {  	[sflag:s0] =	ssyncadd.s32 @!p0 $0xFFFFE000  }
0x2f: {  	s28 =	sadd.s32 $0x2000, s28;
	s0 =	smov.u32 s30;
	s30 =	sadd.s32 $0x1, s30  }
0x30: {  	[tilespmem:s11], [sflag:$0x1] =	stream.indirect.gather @!p0 [hbm4b:s3+s12], $0x40, s29, s12, $0xb8;
	[tilespmem:$0x16400] =	vst v63  }
0x31: {  	p1 =	sne.s32 s30, $0xC8;
	s29 =	smov.u32 s1  }
0x32: {  	s11 =	sadd.s32 $0xFFFF2000, s28;
	_ =	swait.ge [sflag:s24], $0x2000  }
0x33: {  	p0 =	sgt.u32 s0, $0xC0;
	s11 =	sand.u32 $0xE000, s11;
	[sflag:s24] =	ssyncset.done $0x0  }
.Ltmp0:
0x34: {  	s11 =	sadd.s32 $0x6400, s11;
	[sflag:s24] =	ssyncadd.s32 $0xFFFFE000;
	(pc) =	sbr.rel @p1 .LBB2_2-.Ltmp0, $4  }
0x35: {  	[hbm4b:s31+s2] =	stream.linear.scatter [tilespmem:s11], [sflag:$0x2], $0x2000, $0x38;
	[tilespmem:$0x16400] =	vst v63  }
0x36: {  	s0 =	simm.s32 @!p0 $0x2;
	s11 =	sand.u32 @!p0 $0xE000, s28  }
0x37: {  	s31 =	sadd.s32 $0x400, s31;
	s11 =	sadd.s32 @!p0 $0x6400, s11;
	_ =	swait.ge @!p0 [sflag:s0], $0x2000  }
0x38: {  	s1 =	sadd.s32 $0x80, s1;
	s12 =	simm.s32 @!p0 $0x80;
	[sflag:s0] =	ssyncset.done @!p0 $0x0  }
0x39: {  	[sflag:s0] =	ssyncadd.s32 @!p0 $0xFFFFE000  }
0x3a: {  	[tilespmem:s11], [sflag:$0x1] =	stream.indirect.gather @!p0 [hbm4b:s3+s12], $0x40, s29, s12, $0xb8;
	[tilespmem:$0x16400] =	vst v63  }
0x3b: {  	_ =	swait.ge [sflag:s25], $0x2000  }
0x3c: {  	[sflag:s25] =	ssyncset.done $0x0  }
0x3d: {  	[sflag:s25] =	ssyncadd.s32 $0xFFFFE000  }
0x3e: {  	_ =	swait.ge [sflag:s25], $0x2000  }
0x3f: {  	[sflag:s25] =	ssyncset.done $0x0  }
0x40: {  	[sflag:s25] =	ssyncadd.s32 $0xFFFFE000  }
0x41: {  	_ =	swait.ge [sflag:s25], $0x2000  }
0x42: {  	[sflag:s25] =	ssyncset.done $0x0  }
0x43: {  	[sflag:s25] =	ssyncadd.s32 $0xFFFFE000  }
0x44: {  	_ =	swait.ge [sflag:s25], $0x2000  }
0x45: {  	[sflag:s25] =	ssyncset.done $0x0  }
0x46: {  	[sflag:s25] =	ssyncadd.s32 $0xFFFFE000  }
0x47: {  	_ =	swait.ge [sflag:s25], $0x2000  }
0x48: {  	[sflag:s25] =	ssyncset.done $0x0  }
0x49: {  	[sflag:s25] =	ssyncadd.s32 $0xFFFFE000  }
0x4a: {  	_ =	swait.ge [sflag:s25], $0x2000  }
0x4b: {  	[sflag:s25] =	ssyncset.done $0x0  }
0x4c: {  	s26 =	sadd.s32 $0x1, s26;
	[sflag:s25] =	ssyncadd.s32 $0xFFFFE000  }
0x4d: {  	p0 =	sne.s32 s26, s5;
	_ =	swait.ge [sflag:s25], $0x2000  }
.Ltmp1:
0x4e: {  	[sflag:s25] =	ssyncset.done $0x0;
	(pc) =	sbr.rel @p0 .LBB2_1-.Ltmp1, $4  }
0x4f: {  	[sflag:s25] =	ssyncadd.s32 $0xFFFFE000  }
0x50: {  	_ =	swait.ge [sflag:s25], $0x2000  }
0x51: {  	[sflag:s25] =	ssyncset.done $0x0  }
0x52: {  	[sflag:s25] =	ssyncadd.s32 $0xFFFFE000  }
0x53: {  	_ =	sfence.sel $0x180000  }
0x54: {  	[bflag:$0x0] =	sbarrier.arrive $0xFFFF  }
0x55: {  	_ =	strace $0x90000047  }
0x56: {  	s0 =	stileid.u32;
	[bflag:$0x2] =	sbarrier.arrive $0xFFFF  }
0x57: {  	p0 =	sne.s32 s0, $0x0;
	s0 =	rddreg [dreg:$0x2]  }
0x58: {  	s0 =	sadd.s32 @!p0 $0x100000, s0  }
0x59: {  	[sflag:s0] =	ssyncadd.tile.s32 @!p0 $0x1;
	_ =	shalt  }
.Lfunc_end2:
_tile_overlayer_lowered:
.L_overlay_start_2:
0x5a: {  	(tag) =	ssettag $0x2  }
0x5b: {  	s0 =	rddreg [dreg:$0x0];
	s2 =	stileid.u32  }
0x5c: {  	s1 =	rddreg [dreg:$0x1];
	p0 =	sne.s32 s2, $0x0  }
0x5d: {  	s3 =	rddreg [dreg:$0x2];
	[bflag:$0x3] =	sbarrier.arrive $0xFFFF;
	s2 =	simm.s32 @!p0 $0x1C03  }
0x5e: {  	[timem:s3], [sflag:s2] =	dma.local @!p0 [hbm:s0], s1  }
0x5f: {  	s0 =	simm.s32 @!p0 $0x3  }
0x60: {  	_ =	swait.ge @!p0 [sflag:s0], s1  }
0x61: {  	s1 =	ssub.s32 @!p0 $0x0, s1;
	[sflag:s0] =	ssyncset.done @!p0 $0x0  }
0x62: {  	[sflag:s0] =	ssyncadd.s32 @!p0 s1  }
0x63: {  	[bflag:$0x3] =	sbarrier.arrive $0xFFFF  }
0x64: {  	_ =	shalt  }

// kernel: sparse-core-data-format-call.cloned.1.call-start
scs
called_computation_lowered:
.L_overlay_start_0:
0x0: {  	s2 =	sld [smem:$0x3FD9]  }
0x1: {  	s3 =	sld [smem:$0x3FFE];
	_ =	sdelay $0x1  }
0x2: {  	s1 =	srdreg.scid  }
0x3: {  	s0 =	sand.u32 $0x1, s1  }
0x4: {  	s18 =	sshll.u32 s0, $0xA;
	s2 =	sadd.s32 s3, s2  }
0x5: {  	s2 =	sadd.s32 s2, s18  }
0x6: {  	[smem:$0x3FC6] =	sst s2  }
0x7: {  	_ = 	snop  }
0x8: {  	s2 =	sld [smem:$0x3FD0];
	(tm) =	ssettm $0x1  }
0x9: {  	s19 =	sld [smem:$0x3FFB];
	_ =	sdelay $0x3  }
0xa: {  	_ =	strace s19  }
0xb: {  	s3 =	sld [smem:$0x3FFC];
	_ =	sdelay $0x3  }
0xc: {  	_ =	strace s3  }
0xd: {  	s3 =	sld [smem:$0x3FFD];
	_ =	sdelay $0x3  }
0xe: {  	_ =	strace s3  }
0xf: {  	_ =	strace $0x8FFFFFFF  }
0x10: {  	s20 =	sld [smem:$0x3FDB];
	_ =	sdelay $0x1  }
0x11: {  	s4 =	simm.s32 $_scs_section_size  }
0x12: {  	s5 =	simm.s32 $_size__tile_overlayer_lowered;
	s6 =	simm.s32 $_tile_overlayer_lowered  }
0x13: {  	s23 =	simm.s32 $0x1BFF;
	s22 =	sshll.u32 s6, $0x1;
	s3 =	sadd.s32 s4, s20  }
0x14: {  	s7 =	simm.s32 $0x0;
	s21 =	sshll.u32 s5, $0x1;
	s5 =	sadd.s32 s22, s3  }
0x15: {  	[timem:s7], [sflag:s23] =	dma.local [hbm:s5], s21  }
0x16: {  	_ =	swait.ge [sflag:s23], s21  }
0x17: {  	s4 =	ssub.s32 $0x0, s21;
	[sflag:s23] =	ssyncset.done $0x0  }
0x18: {  	[sflag:s23] =	ssyncadd.s32 s4;
	_ =	sdelay $0x1  }
0x19: {  	s24 =	simm.s32 $0x1B8B  }
0x1a: {  	_ =	swait.ge [sflag:s24], $0x1  }
0x1b: {  	[sflag:s24] =	ssyncset.done $0x0  }
0x1c: {  	s26 =	simm.s32 $0x1B8E;
	s25 =	sld [smem:$0x3FFE];
	[sflag:s24] =	ssyncadd.s32 $0xFFFFFFFF  }
0x1d: {  	s27 =	simm.s32 $execute0_lowered;
	[smem:$0x3FD2] =	sst s26  }
0x1e: {  	s5 =	sshll.u32 s27, $0x1;
	_ =	strace $0x80000049;
	[dreg:$0x1] =	wrdreg $0xFFFFFFFF  }
0x1f: {  	s28 =	simm.s32 $_size_execute0_lowered;
	s3 =	sadd.s32 s3, s5;
	[dreg:$0x0] =	wrdreg $0x0  }
0x20: {  	s5 =	sshll.u32 s28, $0x1;
	[dreg:$0x2] =	wrdreg s3  }
0x21: {  	[dreg:$0x3] =	wrdreg s5  }
0x22: {  	[dreg:$0x4] =	wrdreg $0xC0  }
0x23: {  	_ =	task [dreg:s7], $0x5FFFF  }
0x24: {  	[dreg:$0x1] =	wrdreg $0xFFFFFFFF  }
0x25: {  	[dreg:$0x0] =	wrdreg $0x60  }
0x26: {  	[dreg:$0x2] =	wrdreg s25  }
0x27: {  	[dreg:$0x3] =	wrdreg s2  }
0x28: {  	[dreg:$0x4] =	wrdreg $0x9  }
0x29: {  	_ =	task.clear_ibuf [dreg:s7], $0x5FFFF;
	_ =	strace $0x90000049  }
0x2a: {  	s29 =	simm.s32 $0x9;
	_ =	strace $0x8000004B  }
0x2b: {  	_ =	swait.ge [sflag:s29], $0x1  }
0x2c: {  	[sflag:s29] =	ssyncadd.s32 $0xFFFFFFFF  }
0x2d: {  	_ =	strace $0x9000004B  }
0x2e: {  	_ =	sfence  }
0x2f: {  	s30 =	sld [smem:$0x0];
	_ =	sdelay $0x2  }
0x30: {  	s31 =	sshll.u32 s1, $0xD;
	s1 =	sshrl.u32 s1, $0x2  }
0x31: {  	s3 =	sand.u32 $0x4000, s31;
	s1 =	sadd.s32 s1, s30  }
0x32: {  	s0 =	sor.u32 s3, s0;
	s1 =	sshll.u32 s1, $0x11  }
0x33: {  	s0 =	sor.u32 s1, s0  }
0x34: {  	s0 =	sadd.s32 $0x8F2B, s0  }
0x35: {  	[sflag:s0] =	ssyncadd.remote.s32 $0x1  }
0x36: {  	_ =	sfence.sel $0xFFFF  }
0x37: {  	[dreg:$0x0] =	wrdreg $0xFFFFFFFF;
	(pc) =	sbr.abs _section_cstart, $3  }
0x38: {  	[dreg:$0x1] =	wrdreg $0xFFFFFFFF  }
0x39: {  	_ =	task.clear_ibuf [dreg:s7], $0x2FFFF;
	_ =	strace $0x9FFFFFFF  }
0x3a: {  	(tm) =	ssettm $0x7FFFFFFF  }
0x3b: {  	_ =	shalt  }
tec
execute0_lowered:
.L_overlay_start_1:
0x0: {  	(tag) =	ssettag $0x1  }
0x1: {  	s0 =	srdreg.scid  }
0x2: {  	s1 =	sshll.u32 s0, $0x4  }
0x3: {  	s0 =	stileid.u32;
	s1 =	sand.u32 $0x10, s1  }
0x4: {  	s7 =	rddreg [dreg:$0x0];
	s1 =	sor.u32 s0, s1  }
0x5: {  	s4 =	simm.s32 $0x1;
	s8 =	simm.s32 $0x2;
	s2 =	sshll.u32 s1, $0x7  }
0x6: {  	s13 =	simm.s32 $0x0;
	s9 =	simm.s32 $0x20000;
	s1 =	ssub.s32 $0x4000, s2  }
0x7: {  	s14 =	simm.s32 $0x0;
	s11 =	simm.s32 $0x0;
	s3 =	sand.u32 $0xF80, s1  }
0x8: {  	s12 =	simm.s32 $0x0;
	s5 =	sshrl.u32 s1, $0xC;
	p0 =	sne.s32 s3, $0x0  }
.Ltmp0:
0x9: {  	s1 =	rddreg [dreg:$0x2];
	s4 =	simm.s32 @!p0 $0x0;
	(pc) =	sbr.rel .LBB1_1-.Ltmp0, $4  }
0xa: {  	s6 =	sadd.s32 $0xA00, s7;
	s3 =	rddreg [dreg:$0x1];
	s5 =	sadd.s32 s4, s5  }
0xb: {  	_ =	strace $0x8000004A;
	s4 =	simm.s32 $0x1;
	s5 =	smul.u32 $0x19, s5  }
0xc: {  	s7 =	sadd.s32 $0x40A00, s7;
	s10 =	smov.u32 s2;
	[sflag:s4] =	ssyncpa.u1 $0x0  }
0xd: {  	p0 =	por $0x0, $0x0;
	[sflag:s8] =	ssyncpa.u1 $0x0;
	s8 =	sadd.s32 $0x1, s5  }
.LBB1_7:
0xe: {  	s15 =	sadd.s32 $0x1000, s10  }
0xf: {  	s13 =	sadd.s32 $0x2, s11;
	s17 =	smov.u32 s11;
	p2 =	sgt.s32 s15, $0x3FFF  }
0x10: {  	s17 =	smov.u32 @p2 s13  }
0x11: {  	s15 =	smov.u32 @p2 s2;
	p2 =	sgt.s32 s17, $0x31  }
0x12: {  	s17 =	simm.s32 @p2 $0x0;
	p2 =	sne.s32 s12, s8  }
.Ltmp1:
0x13: {  	p1 =	slt.u32 s12, $0x2;
	(pc) =	sbr.rel @!p2 .LBB1_8-.Ltmp1, $4  }
0x14: {  	s16 =	simm.s32 @!p1 $0x2  }
0x15: {  	s14 =	smov.u32 s11;
	p0 =	por !p0, !p0;
	_ =	swait.ge @!p1 [sflag:s16], $0x4000  }
0x16: {  	s13 =	smov.u32 s10;
	[sflag:s16] =	ssyncset.done @!p1 $0x0;
	s10 =	smov.u32 s15  }
0x17: {  	s12 =	sadd.s32 $0x1, s12;
	[sflag:s16] =	ssyncadd.s32 @!p1 $0xFFFFC000;
	s11 =	smov.u32 s17  }
.LBB1_1:
0x18: {  	p1 =	sge.u32 s12, s5  }
0x19: {  	s15 =	sxor.u32 @!p1 $0xFFFFFFFF, s12;
	s16 =	sshll.u32 @!p1 s11, $0x12  }
0x1a: {  	s17 =	sshll.u32 @!p1 s10, $0x4;
	s19 =	simm.s32 @!p1 $0x40;
	s20 =	simm.s32 @!p1 $0x80  }
0x1b: {  	s15 =	sshll.u32 @!p1 s15, $0xE;
	s17 =	sand.u32 @!p1 $0x3FFF0, s17;
	s18 =	sadd.s32 @!p1 s6, s16  }
0x1c: {  	s16 =	sadd.s32 @!p1 s16, s7;
	s15 =	sand.u32 @!p1 $0x4000, s15;
	s18 =	sadd.s32 @!p1 s17, s18  }
0x1d: {  	[tilespmem:s15], [sflag:$0x1] =	stream.strided.gather @!p1 [hbm4b:s18+s19], $0x2000, s20, s19, $0x38;
	[tilespmem:$0x10100] =	vst v63  }
0x1e: {  	s31 =	sadd.s32 $0xFFFFFFFF, s12;
	s16 =	sadd.s32 @!p1 s17, s16;
	s15 =	sor.u32 @!p1 $0x2000, s15  }
0x1f: {  	[tilespmem:s15], [sflag:$0x1] =	stream.strided.gather @!p1 [hbm4b:s16+s19], $0x2000, s20, s19, $0x38;
	[tilespmem:$0x10100] =	vst v63  }
0x20: {  	p1 =	sge.u32 s31, s5  }
.Ltmp2:
0x21: {  	_ = 	snop;
	(pc) =	sbr.rel @p1 .LBB1_7-.Ltmp2, $1  }
0x22: {  	_ =	sdelay $0x3  }
0x23: {  	s15 =	simm.s32 $0x1;
	s17 =	sand.u32 $0x1, s12  }
0x24: {  	_ =	swait.ge [sflag:s4], $0x4000;
	s15 =	simm.s32 @!p0 $0x0;
	s17 =	smul.u32 $0x10200, s17  }
0x25: {  	p2 =	por $0x1, $0x1;
	[sflag:s4] =	ssyncset.done $0x0;
	s16 =	smul.u32 $0x10200, s15  }
0x26: {  	s18 =	sshll.u32 s15, $0x10;
	[sflag:s4] =	ssyncadd.s32 $0xFFFFC000;
	s30 =	sshrl.u32 s17, $0x2  }
0x27: {  	s31 =	sshrl.u32 s18, $0x2;
	s18 =	simm.s32 $0x0;
	s16 =	sshrl.u32 s16, $0x2  }
0x28: {  	s15 =	sor.u32 $0x8000, s30;
	s17 =	sadd.s32 $0x20, s31;
	s16 =	sor.u32 $0x8000, s16  }
.LBB1_3:
0x29: {  	s19 =	sshll.u32 s18, $0xD  }
0x2a: {  	s19 =	sand.u32 $0x3FFFE000, s19  }
0x2b: {  	s21 =	sadd.s32 s19, s17  }
0x2c: {  	s31 =	smul.u32 $0x8100, s18;
	v3 =	vld [tilespmem:s21+$0x10]  }
0x2d: {  	v1 =	vld [tilespmem:s21+$0xFFFFFFF0]  }
0x2e: {  	s18 =	sshra.s32 s31, $0x2;
	v0 =	vld [tilespmem:s21+$0x0]  }
0x2f: {  	s18 =	sadd.s32 s18, s16;
	v2 =	vld [tilespmem:s21+$0xFFFFFFE0]  }
0x30: {  	s19 =	sadd.s32 $0x0, s18  }
0x31: {  	p1 =	por p2, p2;
	s20 =	simm.s32 $0x4;
	s21 =	sadd.s32 $0x40, s21;
	[tilespmem:s19+$0x1830 ss:$0x81] =	vst.msk $0xffff, v3  }
.LBB1_4:
0x32: {  	v3 =	vld [tilespmem:s21+$0x10];
	p2 =	sne.s32 s20, $0x1FC;
	[tilespmem:s19+$0x810 ss:$0x81] =	vst.msk $0xffff, v1;
	s22 =	smov.u32 s20;
	s20 =	sadd.s32 $0x4, s20  }
.Ltmp3:
0x33: {  	v1 =	vld [tilespmem:s21+$0xFFFFFFF0];
	[tilespmem:s19+$0x1020 ss:$0x81] =	vst.msk $0xffff, v0;
	(pc) =	sbr.rel @p2 .LBB1_4-.Ltmp3, $4  }
0x34: {  	v0 =	vld [tilespmem:s21+$0x0];
	[tilespmem:s19+$0x0 ss:$0x81] =	vst.msk $0xffff, v2  }
0x35: {  	s19 =	sshra.s32 s22, $0x2;
	v2 =	vld [tilespmem:s21+$0xFFFFFFE0]  }
0x36: {  	s19 =	sadd.s32 s19, s18  }
0x37: {  	s21 =	sadd.s32 $0x40, s21;
	[tilespmem:s19+$0x1830 ss:$0x81] =	vst.msk $0xffff, v3  }
.Ltmp4:
0x38: {  	(pc) =	sbr.rel @p1 .LBB1_3-.Ltmp4, $4  }
0x39: {  	_ = 	snop  }
0x3a: {  	[tilespmem:s19+$0x810 ss:$0x81] =	vst.msk $0xffff, v1  }
0x3b: {  	[tilespmem:s19+$0x1020 ss:$0x81] =	vst.msk $0xffff, v0  }
0x3c: {  	s18 =	simm.s32 $0x1;
	p2 =	por $0x0, $0x0;
	[tilespmem:s19+$0x0 ss:$0x81] =	vst.msk $0xffff, v2  }
0x3d: {  	s16 =	sshll.u32 s13, $0x3;
	s17 =	sand.u32 $0x78, s13;
	s14 =	sshll.u32 s14, $0x11  }
.Ltmp5:
0x3e: {  	s30 =	sand.u32 $0x1F800, s13;
	s16 =	sand.u32 $0x3C00, s16;
	(pc) =	sbr.rel .LBB1_7-.Ltmp5, $4  }
0x3f: {  	s31 =	sand.u32 $0x7, s13;
	s14 =	sadd.s32 s3, s14;
	s16 =	sor.u32 s17, s16  }
0x40: {  	s13 =	sshll.u32 s31, $0x12;
	s14 =	sadd.s32 s30, s14;
	s16 =	sshrl.u32 s16, $0x3  }
0x41: {  	s13 =	sor.u32 $0x400, s13;
	s14 =	sadd.s32 s16, s14  }
0x42: {  	[hbm4b:s14+s13] =	stream.strided.scatter [tilespmem:s15], [sflag:$0x2], $0x4000, s9, s13, $0x20;
	[tilespmem:$0x10100] =	vst v63  }
.LBB1_8:
0x43: {  	_ =	sfence.sel $0x180000  }
0x44: {  	s2 =	simm.s32 $0x1;
	[bflag:$0x0] =	sbarrier.arrive $0xFFFF  }
0x45: {  	s31 =	simm.s32 $0x2;
	[sflag:s2] =	ssyncpa.u1 $0x1  }
0x46: {  	[sflag:s31] =	ssyncpa.u1 $0x1  }
0x47: {  	p0 =	sne.s32 s0, $0x0;
	_ =	strace $0x9000004A  }
0x48: {  	s0 =	sadd.s32 @!p0 $0x100000, s1;
	[bflag:$0x2] =	sbarrier.arrive $0xFFFF  }
0x49: {  	[sflag:s0] =	ssyncadd.tile.s32 @!p0 $0x1;
	_ =	shalt  }
.Lfunc_end1:
_tile_overlayer_lowered:
.L_overlay_start_2:
0x4a: {  	(tag) =	ssettag $0x2  }
0x4b: {  	s0 =	rddreg [dreg:$0x0];
	s2 =	stileid.u32  }
0x4c: {  	s1 =	rddreg [dreg:$0x1];
	p0 =	sne.s32 s2, $0x0  }
0x4d: {  	s3 =	rddreg [dreg:$0x2];
	[bflag:$0x3] =	sbarrier.arrive $0xFFFF;
	s2 =	simm.s32 @!p0 $0x1C01  }
0x4e: {  	[timem:s3], [sflag:s2] =	dma.local @!p0 [hbm:s0], s1  }
0x4f: {  	s0 =	simm.s32 @!p0 $0x1  }
0x50: {  	_ =	swait.ge @!p0 [sflag:s0], s1  }
0x51: {  	s1 =	ssub.s32 @!p0 $0x0, s1;
	[sflag:s0] =	ssyncset.done @!p0 $0x0  }
0x52: {  	[sflag:s0] =	ssyncadd.s32 @!p0 s1  }
0x53: {  	[bflag:$0x3] =	sbarrier.arrive $0xFFFF  }
0x54: {  	_ =	shalt  }

</sc_bundles>
